<compile_context>
chip_gen: v7x
topology: tpu7x:2x2x1
jax: 0.10.2.dev20260603
libtpu: 0.0.44.dev20260713+nightly
codegen_flags: <defaults>
</compile_context>

<pallas_src>
import functools

import jax
import jax.numpy as jnp
from jax import lax
from jax.experimental import pallas as pl
from jax.experimental.pallas import tpu as pltpu
from jax.experimental.pallas import tpu_sc as plsc

_N_NODES = 10000
_N_EDGES = 320000
_N_IN = 128
_N_HID = 128
_E_IN = 16
_EF = 4
_E_HID = 128

_NPC = 2
_EP = _N_EDGES // _NPC
_NW = 32
_C = 40
_E_PER_W = _EP // _NW
_N_CHUNKS = _E_PER_W // _C

_HI = jax.lax.Precision.HIGHEST


def _prep_body(x_ref, w1t_ref, ei_ref, h_ref, src_ref, dst_ref):
    h_ref[...] = jnp.dot(x_ref[...], w1t_ref[...],
                         preferred_element_type=jnp.float32, precision=_HI)
    start = jnp.min(ei_ref[0, :])
    src_ref[...] = jnp.clip(ei_ref[0, :] - start, 0, _N_NODES - 1)
    dst_ref[...] = jnp.clip(ei_ref[1, :] - start, 0, _N_NODES - 1)


def _prep(x, w1t, ei):
    return pl.pallas_call(
        _prep_body,
        out_shape=(
            jax.ShapeDtypeStruct((_N_NODES, _N_HID), jnp.float32),
            jax.ShapeDtypeStruct((_N_EDGES,), jnp.int32),
            jax.ShapeDtypeStruct((_N_EDGES,), jnp.int32),
        ),
    )(x, w1t, ei)


_NBUF = 4
_AHEAD = 2


def _make_gather(piece):
    @functools.partial(
        pl.kernel,
        mesh=plsc.VectorSubcoreMesh(core_axis_name="c", subcore_axis_name="s"),
        compiler_params=pltpu.CompilerParams(use_tc_tiling_on_sc=True),
        out_type=(
            jax.ShapeDtypeStruct((_EP, _N_HID), jnp.float32),
            jax.ShapeDtypeStruct((_EP, _N_HID), jnp.float32),
        ),
        scratch_types=[
            pltpu.VMEM((_E_PER_W,), jnp.int32),
            pltpu.VMEM((_E_PER_W,), jnp.int32),
            pltpu.VMEM((_NBUF, _C, _N_HID), jnp.float32),
            pltpu.VMEM((_NBUF, _C, _N_HID), jnp.float32),
            pltpu.SemaphoreType.DMA((_NBUF,)),
            pltpu.SemaphoreType.DMA((_NBUF,)),
        ],
    )
    def _gather(h_hbm, src_hbm, dst_hbm, xs_hbm, xd_hbm, isl, idl, rs, rd, gsem, osem):
        wid = lax.axis_index("s") * 2 + lax.axis_index("c")
        obase = wid * _E_PER_W
        ebase = piece * _EP + obase

        pltpu.sync_copy(src_hbm.at[pl.ds(ebase, _E_PER_W)], isl)
        pltpu.sync_copy(dst_hbm.at[pl.ds(ebase, _E_PER_W)], idl)

        def start_gather(i, slot):
            pltpu.async_copy(h_hbm.at[isl.at[pl.ds(i * _C, _C)]], rs.at[slot], gsem.at[slot])
            pltpu.async_copy(h_hbm.at[idl.at[pl.ds(i * _C, _C)]], rd.at[slot], gsem.at[slot])

        def wait_gather(slot):
            pltpu.make_async_copy(h_hbm.at[pl.ds(0, _C)], rs.at[slot], gsem.at[slot]).wait()
            pltpu.make_async_copy(h_hbm.at[pl.ds(0, _C)], rd.at[slot], gsem.at[slot]).wait()

        def drain_scatter(slot):
            pltpu.make_async_copy(rs.at[slot], xs_hbm.at[pl.ds(0, _C)], osem.at[slot]).wait()
            pltpu.make_async_copy(rd.at[slot], xd_hbm.at[pl.ds(0, _C)], osem.at[slot]).wait()

        for j in range(_AHEAD):
            start_gather(j, j)

        def body(i, carry):
            p = lax.rem(i, _NBUF)

            @pl.when(i + _AHEAD < _N_CHUNKS)
            def _():
                q = lax.rem(i + _AHEAD, _NBUF)

                @pl.when(i >= _NBUF - _AHEAD)
                def _():
                    drain_scatter(q)

                start_gather(i + _AHEAD, q)

            wait_gather(p)
            off = pl.ds(obase + i * _C, _C)
            pltpu.async_copy(rs.at[p], xs_hbm.at[off], osem.at[p])
            pltpu.async_copy(rd.at[p], xd_hbm.at[off], osem.at[p])
            return carry

        lax.fori_loop(0, _N_CHUNKS, body, 0)
        for slot in range(_NBUF):
            drain_scatter(slot)

    return _gather


_gather_piece = [_make_gather(p) for p in range(_NPC)]


_BLK = 3200
_BPP = _EP // _BLK


def _out_body(xs_ref, xd_ref, ea_ref, ef_ref, wem_ref, wea_ref, wef_ref,
              b2_ref, out_ref):
    xem = jnp.maximum(xs_ref[...] - xd_ref[...], 0.0).astype(jnp.bfloat16)
    acc = jnp.dot(xem, wem_ref[...], preferred_element_type=jnp.float32)
    acc = acc + jnp.dot(ea_ref[...].astype(jnp.bfloat16), wea_ref[...],
                        preferred_element_type=jnp.float32)
    acc = acc + jnp.dot(ef_ref[...].astype(jnp.bfloat16), wef_ref[...],
                        preferred_element_type=jnp.float32)
    out_ref[...] = acc + b2_ref[...]


def _acc_body(prev_ref, xs_ref, xd_ref, ea_ref, ef_ref, wem_ref, wea_ref,
              wef_ref, b2_ref, out_ref):
    del prev_ref
    _out_body(xs_ref, xd_ref, ea_ref, ef_ref, wem_ref, wea_ref, wef_ref,
              b2_ref, out_ref)


def _final_piece(piece, xs, xd, ea, ef, wem, wea, wef, b2row, prev=None):
    off = piece * _BPP
    specs = [
        pl.BlockSpec((_BLK, _N_HID), lambda i: (i, 0)),
        pl.BlockSpec((_BLK, _N_HID), lambda i: (i, 0)),
        pl.BlockSpec((_BLK, _E_IN), lambda i, o=off: (i + o, 0)),
        pl.BlockSpec((_BLK, _EF), lambda i, o=off: (i + o, 0)),
        pl.BlockSpec((_N_HID, _E_HID), lambda i: (0, 0)),
        pl.BlockSpec((_E_IN, _E_HID), lambda i: (0, 0)),
        pl.BlockSpec((_EF, _E_HID), lambda i: (0, 0)),
        pl.BlockSpec((1, _E_HID), lambda i: (0, 0)),
    ]
    out_spec = pl.BlockSpec((_BLK, _E_HID), lambda i, o=off: (i + o, 0))
    out_shape = jax.ShapeDtypeStruct((_N_EDGES, _E_HID), jnp.float32)
    if prev is None:
        return pl.pallas_call(
            _out_body, grid=(_BPP,), in_specs=specs, out_specs=out_spec,
            out_shape=out_shape,
        )(xs, xd, ea, ef, wem, wea, wef, b2row)
    prev_spec = pl.BlockSpec((8, _E_HID), lambda i: (0, 0))
    return pl.pallas_call(
        _acc_body, grid=(_BPP,), in_specs=[prev_spec] + specs,
        out_specs=out_spec, out_shape=out_shape,
        input_output_aliases={0: 0},
    )(prev, xs, xd, ea, ef, wem, wea, wef, b2row)


def kernel(x, edge_index, edge_f, edge_attr, W1, b1, W2, b2):
    del b1
    h, src, dst = _prep(x, W1.T, edge_index)
    wem = W2[:, :_N_HID].T.astype(jnp.bfloat16)
    wea = W2[:, _N_HID:_N_HID + _E_IN].T.astype(jnp.bfloat16)
    wef = W2[:, _N_HID + _E_IN:].T.astype(jnp.bfloat16)
    b2row = b2.reshape(1, _E_HID)
    rows = [_gather_piece[p](h, src, dst) for p in range(_NPC)]
    out = None
    for p, (xs, xd) in enumerate(rows):
        out = _final_piece(p, xs, xd, edge_attr, edge_f, wem, wea, wef, b2row,
                           prev=out)
    return out

# --- scband reference (transcript-rebuilt; emitter-appended) ---
"""Pipeline reference for scband-edgeconvfc-687194767627 (READ-ONLY COPY).

The authoritative reference and input builder live on the scoring server;
editing this copy changes nothing except your own understanding.
"""

import jax, jax.numpy as jnp
import numpy as np

N_NODES = 10000
N_EDGES = 320000
N_IN = 128
N_HID = 128
E_IN = 16
EF = 4
E_HID = 128

def setup_inputs(seed: int = 0) -> dict:
    key = jax.random.key(seed)
    k1, k2, k3, k4, k5, k6, k7, k8 = jax.random.split(key, 8)
    x = jax.random.normal(k1, (N_NODES, N_IN), dtype=jnp.float32)
    edge_index = jax.random.randint(k2, (2, N_EDGES), 0, N_NODES, dtype=jnp.int64 if jax.config.jax_enable_x64 else jnp.int32).astype(jnp.int32)
    edge_f = jax.random.normal(k3, (N_EDGES, EF), dtype=jnp.float32)
    edge_attr = jax.random.normal(k4, (N_EDGES, E_IN), dtype=jnp.float32)
    # lin1: Linear(N_IN -> N_HID); lin2: Linear(N_HID + E_IN + EF -> E_HID)
    s1 = 1.0 / np.sqrt(N_IN)
    s2 = 1.0 / np.sqrt(N_HID + E_IN + EF)
    W1 = jax.random.uniform(k5, (N_HID, N_IN), dtype=jnp.float32, minval=-s1, maxval=s1)
    b1 = jax.random.uniform(k6, (N_HID,), dtype=jnp.float32, minval=-s1, maxval=s1)
    W2 = jax.random.uniform(k7, (E_HID, N_HID + E_IN + EF), dtype=jnp.float32, minval=-s2, maxval=s2)
    b2 = jax.random.uniform(k8, (E_HID,), dtype=jnp.float32, minval=-s2, maxval=s2)
    return {"x": x, "edge_index": edge_index, "edge_f": edge_f, "edge_attr": edge_attr, "W1": W1, "b1": b1, "W2": W2, "b2": b2}

def reference(x, edge_index, edge_f, edge_attr, W1, b1, W2, b2):
    # Faithful vectorization of the per-edge loop:
    # x_j = x[edge_index[0,i]-start], x_i = x[edge_index[1,i]-start]
    # x_em = relu(lin1(x_j) - lin1(x_i)); out[i] = lin2(cat(x_em, edge_attr[i], edge_f[i]))
    start = jnp.min(edge_index[0])
    src = edge_index[0] - start
    dst = edge_index[1] - start
    h = x @ W1.T + b1  # lin1 applied per node once; gather afterwards (bias cancels in subtraction)
    x_em = jax.nn.relu(jnp.take(h, src, axis=0) - jnp.take(h, dst, axis=0))
    in_features = jnp.concatenate([x_em, edge_attr, edge_f], axis=1)
    out = in_features @ W2.T + b2
    return out

if __name__ == "__main__":
    import jax
    _d = setup_inputs()
    print(jax.jit(kernel)(*tuple(_d.values())))

</pallas_src>

<mosaic_0001>
#map = affine_map<(d0, d1) -> (0, 0)>
#map1 = affine_map<(d0, d1) -> (0)>
module attributes {stable_mosaic.version = 14 : i64} {
  func.func @_gather(%arg0: i32, %arg1: i32, %arg2: memref<10000x128xf32, #tpu.memory_space<hbm>>, %arg3: memref<320000xi32, #tpu.memory_space<hbm>>, %arg4: memref<320000xi32, #tpu.memory_space<hbm>>, %arg5: memref<160000x128xf32, #tpu.memory_space<hbm>>, %arg6: memref<160000x128xf32, #tpu.memory_space<hbm>>, %arg7: memref<5000xi32, #tpu.memory_space<vmem>>, %arg8: memref<5000xi32, #tpu.memory_space<vmem>>, %arg9: memref<4x40x128xf32, #tpu.memory_space<vmem>>, %arg10: memref<4x40x128xf32, #tpu.memory_space<vmem>>, %arg11: memref<4x!tpu.dma_semaphore, #tpu.memory_space<semaphore_mem>>, %arg12: memref<4x!tpu.dma_semaphore, #tpu.memory_space<semaphore_mem>>) attributes {dimension_semantics = [#tpu.dimension_semantics<core_parallel>, #tpu.dimension_semantics<subcore_parallel>], iteration_bounds = array<i64: 2, 16>, scalar_prefetch = 0 : i64, scratch_operands = 6 : i64, tpu.core_type = #tpu.core_type<sc_vector_subcore>, window_params = [{transform_indices = #map}, {transform_indices = #map1}, {transform_indices = #map1}, {transform_indices = #map}, {transform_indices = #map}]} {
    %mul3A = arith.constant 2 : i32
    %mul3A_0 = arith.muli %arg1, %mul3A : i32
    %add3A = arith.addi %mul3A_0, %arg0 : i32
    %mul3A_1 = arith.constant 5000 : i32
    %mul3A_2 = arith.muli %add3A, %mul3A_1 : i32
    %add3A_3 = arith.constant 160000 : i32
    %add3A_4 = arith.addi %add3A_3, %mul3A_2 : i32
    "tpu.region"() ({
      %run_scoped3A = tpu.sem_alloc : memref<!tpu.dma_semaphore, #tpu.memory_space<semaphore_mem>>
      %dma_start3A_204 = tpu.memref_slice %arg3[%add3A_4] : memref<320000xi32, #tpu.memory_space<hbm>> -> memref<5000xi32, #tpu.memory_space<hbm>>
      %dma_start3A_205 = tpu.memref_slice %arg3[%add3A_4] : memref<320000xi32, #tpu.memory_space<hbm>> -> memref<5000xi32, #tpu.memory_space<hbm>>
      tpu.enqueue_dma source(%dma_start3A_205 : memref<5000xi32, #tpu.memory_space<hbm>>) target(%arg7 : memref<5000xi32, #tpu.memory_space<vmem>>) target_semaphore(%run_scoped3A : memref<!tpu.dma_semaphore, #tpu.memory_space<semaphore_mem>>)
      %dma_wait3A_206 = tpu.memref_slice %arg3[%add3A_4] : memref<320000xi32, #tpu.memory_space<hbm>> -> memref<5000xi32, #tpu.memory_space<hbm>>
      %dma_wait3A_207 = tpu.memref_slice %arg3[%add3A_4] : memref<320000xi32, #tpu.memory_space<hbm>> -> memref<5000xi32, #tpu.memory_space<hbm>>
      tpu.wait_dma2 semaphore(%run_scoped3A : memref<!tpu.dma_semaphore, #tpu.memory_space<semaphore_mem>>) src(%dma_wait3A_207 : memref<5000xi32, #tpu.memory_space<hbm>>) dst(%arg7 : memref<5000xi32, #tpu.memory_space<vmem>>)
      tpu.yield
    }) : () -> ()
    "tpu.region"() ({
      %run_scoped3A = tpu.sem_alloc : memref<!tpu.dma_semaphore, #tpu.memory_space<semaphore_mem>>
      %dma_start3A_204 = tpu.memref_slice %arg4[%add3A_4] : memref<320000xi32, #tpu.memory_space<hbm>> -> memref<5000xi32, #tpu.memory_space<hbm>>
      %dma_start3A_205 = tpu.memref_slice %arg4[%add3A_4] : memref<320000xi32, #tpu.memory_space<hbm>> -> memref<5000xi32, #tpu.memory_space<hbm>>
      tpu.enqueue_dma source(%dma_start3A_205 : memref<5000xi32, #tpu.memory_space<hbm>>) target(%arg8 : memref<5000xi32, #tpu.memory_space<vmem>>) target_semaphore(%run_scoped3A : memref<!tpu.dma_semaphore, #tpu.memory_space<semaphore_mem>>)
      %dma_wait3A_206 = tpu.memref_slice %arg4[%add3A_4] : memref<320000xi32, #tpu.memory_space<hbm>> -> memref<5000xi32, #tpu.memory_space<hbm>>
      %dma_wait3A_207 = tpu.memref_slice %arg4[%add3A_4] : memref<320000xi32, #tpu.memory_space<hbm>> -> memref<5000xi32, #tpu.memory_space<hbm>>
      tpu.wait_dma2 semaphore(%run_scoped3A : memref<!tpu.dma_semaphore, #tpu.memory_space<semaphore_mem>>) src(%dma_wait3A_207 : memref<5000xi32, #tpu.memory_space<hbm>>) dst(%arg8 : memref<5000xi32, #tpu.memory_space<vmem>>)
      tpu.yield
    }) : () -> ()
    %dma_start3A = arith.constant 0 : i32
    %dma_start3A_5 = arith.constant 0 : i32
    %dma_start3A_6 = arith.constant 0 : i32
    %dma_start3A_7 = arith.constant 0 : i32
    %dma_start3A_8 = tpu.memref_slice %arg9[%dma_start3A, %dma_start3A_6, %dma_start3A_7] : memref<4x40x128xf32, #tpu.memory_space<vmem>> -> memref<1x40x128xf32, #tpu.memory_space<vmem>>
    %dma_start3A_9 = tpu.memref_squeeze %dma_start3A_8 : memref<1x40x128xf32, #tpu.memory_space<vmem>> -> memref<40x128xf32, #tpu.memory_space<vmem>>
    %dma_start3A_10 = arith.constant 0 : i32
    %dma_start3A_11 = tpu.memref_slice %arg7[%dma_start3A_10] : memref<5000xi32, #tpu.memory_space<vmem>> -> memref<40xi32, #tpu.memory_space<vmem>>
    %dma_start3A_12 = arith.constant 0 : i32
    %dma_start3A_13 = arith.constant 0 : i32
    %dma_start3A_14 = tpu.memref_slice %arg2[%dma_start3A_12, %dma_start3A_13] : memref<10000x128xf32, #tpu.memory_space<hbm>> -> memref<10000x128xf32, #tpu.memory_space<hbm>>
    %dma_start3A_15 = tpu.memref_slice %arg11[%dma_start3A_5] : memref<4x!tpu.dma_semaphore, #tpu.memory_space<semaphore_mem>> -> memref<1x!tpu.dma_semaphore, #tpu.memory_space<semaphore_mem>>
    %dma_start3A_16 = tpu.memref_squeeze %dma_start3A_15 : memref<1x!tpu.dma_semaphore, #tpu.memory_space<semaphore_mem>> -> memref<!tpu.dma_semaphore, #tpu.memory_space<semaphore_mem>>
    tpu.enqueue_indirect_dma source(%dma_start3A_14 : memref<10000x128xf32, #tpu.memory_space<hbm>>) target(%dma_start3A_9 : memref<40x128xf32, #tpu.memory_space<vmem>>) offsets(%dma_start3A_11 : memref<40xi32, #tpu.memory_space<vmem>>) semaphore(%dma_start3A_16 : memref<!tpu.dma_semaphore, #tpu.memory_space<semaphore_mem>>)
    %dma_start3A_17 = arith.constant 0 : i32
    %dma_start3A_18 = arith.constant 0 : i32
    %dma_start3A_19 = arith.constant 0 : i32
    %dma_start3A_20 = arith.constant 0 : i32
    %dma_start3A_21 = tpu.memref_slice %arg10[%dma_start3A_17, %dma_start3A_19, %dma_start3A_20] : memref<4x40x128xf32, #tpu.memory_space<vmem>> -> memref<1x40x128xf32, #tpu.memory_space<vmem>>
    %dma_start3A_22 = tpu.memref_squeeze %dma_start3A_21 : memref<1x40x128xf32, #tpu.memory_space<vmem>> -> memref<40x128xf32, #tpu.memory_space<vmem>>
    %dma_start3A_23 = arith.constant 0 : i32
    %dma_start3A_24 = tpu.memref_slice %arg8[%dma_start3A_23] : memref<5000xi32, #tpu.memory_space<vmem>> -> memref<40xi32, #tpu.memory_space<vmem>>
    %dma_start3A_25 = arith.constant 0 : i32
    %dma_start3A_26 = arith.constant 0 : i32
    %dma_start3A_27 = tpu.memref_slice %arg2[%dma_start3A_25, %dma_start3A_26] : memref<10000x128xf32, #tpu.memory_space<hbm>> -> memref<10000x128xf32, #tpu.memory_space<hbm>>
    %dma_start3A_28 = tpu.memref_slice %arg11[%dma_start3A_18] : memref<4x!tpu.dma_semaphore, #tpu.memory_space<semaphore_mem>> -> memref<1x!tpu.dma_semaphore, #tpu.memory_space<semaphore_mem>>
    %dma_start3A_29 = tpu.memref_squeeze %dma_start3A_28 : memref<1x!tpu.dma_semaphore, #tpu.memory_space<semaphore_mem>> -> memref<!tpu.dma_semaphore, #tpu.memory_space<semaphore_mem>>
    tpu.enqueue_indirect_dma source(%dma_start3A_27 : memref<10000x128xf32, #tpu.memory_space<hbm>>) target(%dma_start3A_22 : memref<40x128xf32, #tpu.memory_space<vmem>>) offsets(%dma_start3A_24 : memref<40xi32, #tpu.memory_space<vmem>>) semaphore(%dma_start3A_29 : memref<!tpu.dma_semaphore, #tpu.memory_space<semaphore_mem>>)
    %dma_start3A_30 = arith.constant 1 : i32
    %dma_start3A_31 = arith.constant 1 : i32
    %dma_start3A_32 = arith.constant 0 : i32
    %dma_start3A_33 = arith.constant 0 : i32
    %dma_start3A_34 = tpu.memref_slice %arg9[%dma_start3A_30, %dma_start3A_32, %dma_start3A_33] : memref<4x40x128xf32, #tpu.memory_space<vmem>> -> memref<1x40x128xf32, #tpu.memory_space<vmem>>
    %dma_start3A_35 = tpu.memref_squeeze %dma_start3A_34 : memref<1x40x128xf32, #tpu.memory_space<vmem>> -> memref<40x128xf32, #tpu.memory_space<vmem>>
    %dma_start3A_36 = arith.constant 40 : i32
    %dma_start3A_37 = tpu.memref_slice %arg7[%dma_start3A_36] : memref<5000xi32, #tpu.memory_space<vmem>> -> memref<40xi32, #tpu.memory_space<vmem>>
    %dma_start3A_38 = arith.constant 0 : i32
    %dma_start3A_39 = arith.constant 0 : i32
    %dma_start3A_40 = tpu.memref_slice %arg2[%dma_start3A_38, %dma_start3A_39] : memref<10000x128xf32, #tpu.memory_space<hbm>> -> memref<10000x128xf32, #tpu.memory_space<hbm>>
    %dma_start3A_41 = tpu.memref_slice %arg11[%dma_start3A_31] : memref<4x!tpu.dma_semaphore, #tpu.memory_space<semaphore_mem>> -> memref<1x!tpu.dma_semaphore, #tpu.memory_space<semaphore_mem>>
    %dma_start3A_42 = tpu.memref_squeeze %dma_start3A_41 : memref<1x!tpu.dma_semaphore, #tpu.memory_space<semaphore_mem>> -> memref<!tpu.dma_semaphore, #tpu.memory_space<semaphore_mem>>
    tpu.enqueue_indirect_dma source(%dma_start3A_40 : memref<10000x128xf32, #tpu.memory_space<hbm>>) target(%dma_start3A_35 : memref<40x128xf32, #tpu.memory_space<vmem>>) offsets(%dma_start3A_37 : memref<40xi32, #tpu.memory_space<vmem>>) semaphore(%dma_start3A_42 : memref<!tpu.dma_semaphore, #tpu.memory_space<semaphore_mem>>)
    %dma_start3A_43 = arith.constant 1 : i32
    %dma_start3A_44 = arith.constant 1 : i32
    %dma_start3A_45 = arith.constant 0 : i32
    %dma_start3A_46 = arith.constant 0 : i32
    %dma_start3A_47 = tpu.memref_slice %arg10[%dma_start3A_43, %dma_start3A_45, %dma_start3A_46] : memref<4x40x128xf32, #tpu.memory_space<vmem>> -> memref<1x40x128xf32, #tpu.memory_space<vmem>>
    %dma_start3A_48 = tpu.memref_squeeze %dma_start3A_47 : memref<1x40x128xf32, #tpu.memory_space<vmem>> -> memref<40x128xf32, #tpu.memory_space<vmem>>
    %dma_start3A_49 = arith.constant 40 : i32
    %dma_start3A_50 = tpu.memref_slice %arg8[%dma_start3A_49] : memref<5000xi32, #tpu.memory_space<vmem>> -> memref<40xi32, #tpu.memory_space<vmem>>
    %dma_start3A_51 = arith.constant 0 : i32
    %dma_start3A_52 = arith.constant 0 : i32
    %dma_start3A_53 = tpu.memref_slice %arg2[%dma_start3A_51, %dma_start3A_52] : memref<10000x128xf32, #tpu.memory_space<hbm>> -> memref<10000x128xf32, #tpu.memory_space<hbm>>
    %dma_start3A_54 = tpu.memref_slice %arg11[%dma_start3A_44] : memref<4x!tpu.dma_semaphore, #tpu.memory_space<semaphore_mem>> -> memref<1x!tpu.dma_semaphore, #tpu.memory_space<semaphore_mem>>
    %dma_start3A_55 = tpu.memref_squeeze %dma_start3A_54 : memref<1x!tpu.dma_semaphore, #tpu.memory_space<semaphore_mem>> -> memref<!tpu.dma_semaphore, #tpu.memory_space<semaphore_mem>>
    tpu.enqueue_indirect_dma source(%dma_start3A_53 : memref<10000x128xf32, #tpu.memory_space<hbm>>) target(%dma_start3A_48 : memref<40x128xf32, #tpu.memory_space<vmem>>) offsets(%dma_start3A_50 : memref<40xi32, #tpu.memory_space<vmem>>) semaphore(%dma_start3A_55 : memref<!tpu.dma_semaphore, #tpu.memory_space<semaphore_mem>>)
    %scan3A = arith.constant 0 : i32
    %scan3A_56 = arith.constant 0 : i32
    %scan3A_57 = arith.constant 125 : i32
    %scan3A_58 = arith.addi %scan3A_56, %scan3A_57 : i32
    %scan3A_59 = arith.constant 1 : i32
    scf.for %scan3A_204 = %scan3A_56 to %scan3A_58 step %scan3A_59  : i32 {
      %rem3A = arith.constant 4 : i32
      %rem3A_205 = arith.remsi %scan3A_204, %rem3A : i32
      %add3A_206 = arith.constant 2 : i32
      %add3A_207 = arith.addi %scan3A_204, %add3A_206 : i32
      %lt3A = arith.constant 125 : i32
      %lt3A_208 = arith.cmpi slt, %add3A_207, %lt3A : i32
      %convert_element_type3A = arith.extui %lt3A_208 : i1 to i32
      %cond3A = arith.constant 0 : i32
      %cond3A_209 = arith.cmpi ne, %convert_element_type3A, %cond3A : i32
      scf.if %cond3A_209 {
        %add3A_273 = arith.constant 2 : i32
        %add3A_274 = arith.addi %scan3A_204, %add3A_273 : i32
        %rem3A_275 = arith.constant 4 : i32
        %rem3A_276 = arith.remsi %add3A_274, %rem3A_275 : i32
        %ge3A = arith.constant 2 : i32
        %ge3A_277 = arith.cmpi sge, %scan3A_204, %ge3A : i32
        %convert_element_type3A_278 = arith.extui %ge3A_277 : i1 to i32
        %cond3A_279 = arith.constant 0 : i32
        %cond3A_280 = arith.cmpi ne, %convert_element_type3A_278, %cond3A_279 : i32
        scf.if %cond3A_280 {
          %dma_wait3A_307 = arith.constant 0 : i32
          %dma_wait3A_308 = arith.constant 0 : i32
          %dma_wait3A_309 = tpu.memref_slice %arg9[%rem3A_276, %dma_wait3A_307, %dma_wait3A_308] : memref<4x40x128xf32, #tpu.memory_space<vmem>> -> memref<1x40x128xf32, #tpu.memory_space<vmem>>
          %dma_wait3A_310 = tpu.memref_squeeze %dma_wait3A_309 : memref<1x40x128xf32, #tpu.memory_space<vmem>> -> memref<40x128xf32, #tpu.memory_space<vmem>>
          %dma_wait3A_311 = arith.constant 0 : i32
          %dma_wait3A_312 = arith.constant 0 : i32
          %dma_wait3A_313 = tpu.memref_slice %arg5[%dma_wait3A_311, %dma_wait3A_312] : memref<160000x128xf32, #tpu.memory_space<hbm>> -> memref<40x128xf32, #tpu.memory_space<hbm>>
          %dma_wait3A_314 = tpu.memref_slice %arg12[%rem3A_276] : memref<4x!tpu.dma_semaphore, #tpu.memory_space<semaphore_mem>> -> memref<1x!tpu.dma_semaphore, #tpu.memory_space<semaphore_mem>>
          %dma_wait3A_315 = tpu.memref_squeeze %dma_wait3A_314 : memref<1x!tpu.dma_semaphore, #tpu.memory_space<semaphore_mem>> -> memref<!tpu.dma_semaphore, #tpu.memory_space<semaphore_mem>>
          %dma_wait3A_316 = arith.constant 0 : i32
          %dma_wait3A_317 = arith.constant 0 : i32
          %dma_wait3A_318 = tpu.memref_slice %arg5[%dma_wait3A_316, %dma_wait3A_317] : memref<160000x128xf32, #tpu.memory_space<hbm>> -> memref<40x128xf32, #tpu.memory_space<hbm>>
          %dma_wait3A_319 = arith.constant 0 : i32
          %dma_wait3A_320 = arith.constant 0 : i32
          %dma_wait3A_321 = tpu.memref_slice %arg9[%rem3A_276, %dma_wait3A_319, %dma_wait3A_320] : memref<4x40x128xf32, #tpu.memory_space<vmem>> -> memref<1x40x128xf32, #tpu.memory_space<vmem>>
          %dma_wait3A_322 = tpu.memref_squeeze %dma_wait3A_321 : memref<1x40x128xf32, #tpu.memory_space<vmem>> -> memref<40x128xf32, #tpu.memory_space<vmem>>
          tpu.wait_dma2 semaphore(%dma_wait3A_315 : memref<!tpu.dma_semaphore, #tpu.memory_space<semaphore_mem>>) src(%dma_wait3A_322 : memref<40x128xf32, #tpu.memory_space<vmem>>) dst(%dma_wait3A_318 : memref<40x128xf32, #tpu.memory_space<hbm>>)
          %dma_wait3A_323 = arith.constant 0 : i32
          %dma_wait3A_324 = arith.constant 0 : i32
          %dma_wait3A_325 = tpu.memref_slice %arg10[%rem3A_276, %dma_wait3A_323, %dma_wait3A_324] : memref<4x40x128xf32, #tpu.memory_space<vmem>> -> memref<1x40x128xf32, #tpu.memory_space<vmem>>
          %dma_wait3A_326 = tpu.memref_squeeze %dma_wait3A_325 : memref<1x40x128xf32, #tpu.memory_space<vmem>> -> memref<40x128xf32, #tpu.memory_space<vmem>>
          %dma_wait3A_327 = arith.constant 0 : i32
          %dma_wait3A_328 = arith.constant 0 : i32
          %dma_wait3A_329 = tpu.memref_slice %arg6[%dma_wait3A_327, %dma_wait3A_328] : memref<160000x128xf32, #tpu.memory_space<hbm>> -> memref<40x128xf32, #tpu.memory_space<hbm>>
          %dma_wait3A_330 = tpu.memref_slice %arg12[%rem3A_276] : memref<4x!tpu.dma_semaphore, #tpu.memory_space<semaphore_mem>> -> memref<1x!tpu.dma_semaphore, #tpu.memory_space<semaphore_mem>>
          %dma_wait3A_331 = tpu.memref_squeeze %dma_wait3A_330 : memref<1x!tpu.dma_semaphore, #tpu.memory_space<semaphore_mem>> -> memref<!tpu.dma_semaphore, #tpu.memory_space<semaphore_mem>>
          %dma_wait3A_332 = arith.constant 0 : i32
          %dma_wait3A_333 = arith.constant 0 : i32
          %dma_wait3A_334 = tpu.memref_slice %arg6[%dma_wait3A_332, %dma_wait3A_333] : memref<160000x128xf32, #tpu.memory_space<hbm>> -> memref<40x128xf32, #tpu.memory_space<hbm>>
          %dma_wait3A_335 = arith.constant 0 : i32
          %dma_wait3A_336 = arith.constant 0 : i32
          %dma_wait3A_337 = tpu.memref_slice %arg10[%rem3A_276, %dma_wait3A_335, %dma_wait3A_336] : memref<4x40x128xf32, #tpu.memory_space<vmem>> -> memref<1x40x128xf32, #tpu.memory_space<vmem>>
          %dma_wait3A_338 = tpu.memref_squeeze %dma_wait3A_337 : memref<1x40x128xf32, #tpu.memory_space<vmem>> -> memref<40x128xf32, #tpu.memory_space<vmem>>
          tpu.wait_dma2 semaphore(%dma_wait3A_331 : memref<!tpu.dma_semaphore, #tpu.memory_space<semaphore_mem>>) src(%dma_wait3A_338 : memref<40x128xf32, #tpu.memory_space<vmem>>) dst(%dma_wait3A_334 : memref<40x128xf32, #tpu.memory_space<hbm>>)
        } else {
        }
        %add3A_281 = arith.constant 2 : i32
        %add3A_282 = arith.addi %scan3A_204, %add3A_281 : i32
        %mul3A_283 = arith.constant 40 : i32
        %mul3A_284 = arith.muli %add3A_282, %mul3A_283 : i32
        %dma_start3A_285 = arith.constant 0 : i32
        %dma_start3A_286 = arith.constant 0 : i32
        %dma_start3A_287 = tpu.memref_slice %arg9[%rem3A_276, %dma_start3A_285, %dma_start3A_286] : memref<4x40x128xf32, #tpu.memory_space<vmem>> -> memref<1x40x128xf32, #tpu.memory_space<vmem>>
        %dma_start3A_288 = tpu.memref_squeeze %dma_start3A_287 : memref<1x40x128xf32, #tpu.memory_space<vmem>> -> memref<40x128xf32, #tpu.memory_space<vmem>>
        %dma_start3A_289 = tpu.memref_slice %arg7[%mul3A_284] : memref<5000xi32, #tpu.memory_space<vmem>> -> memref<40xi32, #tpu.memory_space<vmem>>
        %dma_start3A_290 = arith.constant 0 : i32
        %dma_start3A_291 = arith.constant 0 : i32
        %dma_start3A_292 = tpu.memref_slice %arg2[%dma_start3A_290, %dma_start3A_291] : memref<10000x128xf32, #tpu.memory_space<hbm>> -> memref<10000x128xf32, #tpu.memory_space<hbm>>
        %dma_start3A_293 = tpu.memref_slice %arg11[%rem3A_276] : memref<4x!tpu.dma_semaphore, #tpu.memory_space<semaphore_mem>> -> memref<1x!tpu.dma_semaphore, #tpu.memory_space<semaphore_mem>>
        %dma_start3A_294 = tpu.memref_squeeze %dma_start3A_293 : memref<1x!tpu.dma_semaphore, #tpu.memory_space<semaphore_mem>> -> memref<!tpu.dma_semaphore, #tpu.memory_space<semaphore_mem>>
        tpu.enqueue_indirect_dma source(%dma_start3A_292 : memref<10000x128xf32, #tpu.memory_space<hbm>>) target(%dma_start3A_288 : memref<40x128xf32, #tpu.memory_space<vmem>>) offsets(%dma_start3A_289 : memref<40xi32, #tpu.memory_space<vmem>>) semaphore(%dma_start3A_294 : memref<!tpu.dma_semaphore, #tpu.memory_space<semaphore_mem>>)
        %mul3A_295 = arith.constant 40 : i32
        %mul3A_296 = arith.muli %add3A_282, %mul3A_295 : i32
        %dma_start3A_297 = arith.constant 0 : i32
        %dma_start3A_298 = arith.constant 0 : i32
        %dma_start3A_299 = tpu.memref_slice %arg10[%rem3A_276, %dma_start3A_297, %dma_start3A_298] : memref<4x40x128xf32, #tpu.memory_space<vmem>> -> memref<1x40x128xf32, #tpu.memory_space<vmem>>
        %dma_start3A_300 = tpu.memref_squeeze %dma_start3A_299 : memref<1x40x128xf32, #tpu.memory_space<vmem>> -> memref<40x128xf32, #tpu.memory_space<vmem>>
        %dma_start3A_301 = tpu.memref_slice %arg8[%mul3A_296] : memref<5000xi32, #tpu.memory_space<vmem>> -> memref<40xi32, #tpu.memory_space<vmem>>
        %dma_start3A_302 = arith.constant 0 : i32
        %dma_start3A_303 = arith.constant 0 : i32
        %dma_start3A_304 = tpu.memref_slice %arg2[%dma_start3A_302, %dma_start3A_303] : memref<10000x128xf32, #tpu.memory_space<hbm>> -> memref<10000x128xf32, #tpu.memory_space<hbm>>
        %dma_start3A_305 = tpu.memref_slice %arg11[%rem3A_276] : memref<4x!tpu.dma_semaphore, #tpu.memory_space<semaphore_mem>> -> memref<1x!tpu.dma_semaphore, #tpu.memory_space<semaphore_mem>>
        %dma_start3A_306 = tpu.memref_squeeze %dma_start3A_305 : memref<1x!tpu.dma_semaphore, #tpu.memory_space<semaphore_mem>> -> memref<!tpu.dma_semaphore, #tpu.memory_space<semaphore_mem>>
        tpu.enqueue_indirect_dma source(%dma_start3A_304 : memref<10000x128xf32, #tpu.memory_space<hbm>>) target(%dma_start3A_300 : memref<40x128xf32, #tpu.memory_space<vmem>>) offsets(%dma_start3A_301 : memref<40xi32, #tpu.memory_space<vmem>>) semaphore(%dma_start3A_306 : memref<!tpu.dma_semaphore, #tpu.memory_space<semaphore_mem>>)
      } else {
      }
      %dma_wait3A_210 = arith.constant 0 : i32
      %dma_wait3A_211 = arith.constant 0 : i32
      %dma_wait3A_212 = tpu.memref_slice %arg9[%rem3A_205, %dma_wait3A_210, %dma_wait3A_211] : memref<4x40x128xf32, #tpu.memory_space<vmem>> -> memref<1x40x128xf32, #tpu.memory_space<vmem>>
      %dma_wait3A_213 = tpu.memref_squeeze %dma_wait3A_212 : memref<1x40x128xf32, #tpu.memory_space<vmem>> -> memref<40x128xf32, #tpu.memory_space<vmem>>
      %dma_wait3A_214 = arith.constant 0 : i32
      %dma_wait3A_215 = arith.constant 0 : i32
      %dma_wait3A_216 = tpu.memref_slice %arg2[%dma_wait3A_214, %dma_wait3A_215] : memref<10000x128xf32, #tpu.memory_space<hbm>> -> memref<40x128xf32, #tpu.memory_space<hbm>>
      %dma_wait3A_217 = tpu.memref_slice %arg11[%rem3A_205] : memref<4x!tpu.dma_semaphore, #tpu.memory_space<semaphore_mem>> -> memref<1x!tpu.dma_semaphore, #tpu.memory_space<semaphore_mem>>
      %dma_wait3A_218 = tpu.memref_squeeze %dma_wait3A_217 : memref<1x!tpu.dma_semaphore, #tpu.memory_space<semaphore_mem>> -> memref<!tpu.dma_semaphore, #tpu.memory_space<semaphore_mem>>
      %dma_wait3A_219 = arith.constant 0 : i32
      %dma_wait3A_220 = arith.constant 0 : i32
      %dma_wait3A_221 = tpu.memref_slice %arg9[%rem3A_205, %dma_wait3A_219, %dma_wait3A_220] : memref<4x40x128xf32, #tpu.memory_space<vmem>> -> memref<1x40x128xf32, #tpu.memory_space<vmem>>
      %dma_wait3A_222 = tpu.memref_squeeze %dma_wait3A_221 : memref<1x40x128xf32, #tpu.memory_space<vmem>> -> memref<40x128xf32, #tpu.memory_space<vmem>>
      %dma_wait3A_223 = arith.constant 0 : i32
      %dma_wait3A_224 = arith.constant 0 : i32
      %dma_wait3A_225 = tpu.memref_slice %arg2[%dma_wait3A_223, %dma_wait3A_224] : memref<10000x128xf32, #tpu.memory_space<hbm>> -> memref<40x128xf32, #tpu.memory_space<hbm>>
      tpu.wait_dma2 semaphore(%dma_wait3A_218 : memref<!tpu.dma_semaphore, #tpu.memory_space<semaphore_mem>>) src(%dma_wait3A_225 : memref<40x128xf32, #tpu.memory_space<hbm>>) dst(%dma_wait3A_222 : memref<40x128xf32, #tpu.memory_space<vmem>>)
      %dma_wait3A_226 = arith.constant 0 : i32
      %dma_wait3A_227 = arith.constant 0 : i32
      %dma_wait3A_228 = tpu.memref_slice %arg10[%rem3A_205, %dma_wait3A_226, %dma_wait3A_227] : memref<4x40x128xf32, #tpu.memory_space<vmem>> -> memref<1x40x128xf32, #tpu.memory_space<vmem>>
      %dma_wait3A_229 = tpu.memref_squeeze %dma_wait3A_228 : memref<1x40x128xf32, #tpu.memory_space<vmem>> -> memref<40x128xf32, #tpu.memory_space<vmem>>
      %dma_wait3A_230 = arith.constant 0 : i32
      %dma_wait3A_231 = arith.constant 0 : i32
      %dma_wait3A_232 = tpu.memref_slice %arg2[%dma_wait3A_230, %dma_wait3A_231] : memref<10000x128xf32, #tpu.memory_space<hbm>> -> memref<40x128xf32, #tpu.memory_space<hbm>>
      %dma_wait3A_233 = tpu.memref_slice %arg11[%rem3A_205] : memref<4x!tpu.dma_semaphore, #tpu.memory_space<semaphore_mem>> -> memref<1x!tpu.dma_semaphore, #tpu.memory_space<semaphore_mem>>
      %dma_wait3A_234 = tpu.memref_squeeze %dma_wait3A_233 : memref<1x!tpu.dma_semaphore, #tpu.memory_space<semaphore_mem>> -> memref<!tpu.dma_semaphore, #tpu.memory_space<semaphore_mem>>
      %dma_wait3A_235 = arith.constant 0 : i32
      %dma_wait3A_236 = arith.constant 0 : i32
      %dma_wait3A_237 = tpu.memref_slice %arg10[%rem3A_205, %dma_wait3A_235, %dma_wait3A_236] : memref<4x40x128xf32, #tpu.memory_space<vmem>> -> memref<1x40x128xf32, #tpu.memory_space<vmem>>
      %dma_wait3A_238 = tpu.memref_squeeze %dma_wait3A_237 : memref<1x40x128xf32, #tpu.memory_space<vmem>> -> memref<40x128xf32, #tpu.memory_space<vmem>>
      %dma_wait3A_239 = arith.constant 0 : i32
      %dma_wait3A_240 = arith.constant 0 : i32
      %dma_wait3A_241 = tpu.memref_slice %arg2[%dma_wait3A_239, %dma_wait3A_240] : memref<10000x128xf32, #tpu.memory_space<hbm>> -> memref<40x128xf32, #tpu.memory_space<hbm>>
      tpu.wait_dma2 semaphore(%dma_wait3A_234 : memref<!tpu.dma_semaphore, #tpu.memory_space<semaphore_mem>>) src(%dma_wait3A_241 : memref<40x128xf32, #tpu.memory_space<hbm>>) dst(%dma_wait3A_238 : memref<40x128xf32, #tpu.memory_space<vmem>>)
      %mul3A_242 = arith.constant 40 : i32
      %mul3A_243 = arith.muli %scan3A_204, %mul3A_242 : i32
      %add3A_244 = arith.addi %mul3A_2, %mul3A_243 : i32
      %dma_start3A_245 = arith.constant 0 : i32
      %dma_start3A_246 = arith.constant 0 : i32
      %dma_start3A_247 = tpu.memref_slice %arg9[%rem3A_205, %dma_start3A_245, %dma_start3A_246] : memref<4x40x128xf32, #tpu.memory_space<vmem>> -> memref<1x40x128xf32, #tpu.memory_space<vmem>>
      %dma_start3A_248 = tpu.memref_squeeze %dma_start3A_247 : memref<1x40x128xf32, #tpu.memory_space<vmem>> -> memref<40x128xf32, #tpu.memory_space<vmem>>
      %dma_start3A_249 = arith.constant 0 : i32
      %dma_start3A_250 = tpu.memref_slice %arg5[%add3A_244, %dma_start3A_249] : memref<160000x128xf32, #tpu.memory_space<hbm>> -> memref<40x128xf32, #tpu.memory_space<hbm>>
      %dma_start3A_251 = tpu.memref_slice %arg12[%rem3A_205] : memref<4x!tpu.dma_semaphore, #tpu.memory_space<semaphore_mem>> -> memref<1x!tpu.dma_semaphore, #tpu.memory_space<semaphore_mem>>
      %dma_start3A_252 = tpu.memref_squeeze %dma_start3A_251 : memref<1x!tpu.dma_semaphore, #tpu.memory_space<semaphore_mem>> -> memref<!tpu.dma_semaphore, #tpu.memory_space<semaphore_mem>>
      %dma_start3A_253 = arith.constant 0 : i32
      %dma_start3A_254 = tpu.memref_slice %arg5[%add3A_244, %dma_start3A_253] : memref<160000x128xf32, #tpu.memory_space<hbm>> -> memref<40x128xf32, #tpu.memory_space<hbm>>
      %dma_start3A_255 = arith.constant 0 : i32
      %dma_start3A_256 = arith.constant 0 : i32
      %dma_start3A_257 = tpu.memref_slice %arg9[%rem3A_205, %dma_start3A_255, %dma_start3A_256] : memref<4x40x128xf32, #tpu.memory_space<vmem>> -> memref<1x40x128xf32, #tpu.memory_space<vmem>>
      %dma_start3A_258 = tpu.memref_squeeze %dma_start3A_257 : memref<1x40x128xf32, #tpu.memory_space<vmem>> -> memref<40x128xf32, #tpu.memory_space<vmem>>
      tpu.enqueue_dma source(%dma_start3A_258 : memref<40x128xf32, #tpu.memory_space<vmem>>) target(%dma_start3A_254 : memref<40x128xf32, #tpu.memory_space<hbm>>) target_semaphore(%dma_start3A_252 : memref<!tpu.dma_semaphore, #tpu.memory_space<semaphore_mem>>)
      %dma_start3A_259 = arith.constant 0 : i32
      %dma_start3A_260 = arith.constant 0 : i32
      %dma_start3A_261 = tpu.memref_slice %arg10[%rem3A_205, %dma_start3A_259, %dma_start3A_260] : memref<4x40x128xf32, #tpu.memory_space<vmem>> -> memref<1x40x128xf32, #tpu.memory_space<vmem>>
      %dma_start3A_262 = tpu.memref_squeeze %dma_start3A_261 : memref<1x40x128xf32, #tpu.memory_space<vmem>> -> memref<40x128xf32, #tpu.memory_space<vmem>>
      %dma_start3A_263 = arith.constant 0 : i32
      %dma_start3A_264 = tpu.memref_slice %arg6[%add3A_244, %dma_start3A_263] : memref<160000x128xf32, #tpu.memory_space<hbm>> -> memref<40x128xf32, #tpu.memory_space<hbm>>
      %dma_start3A_265 = tpu.memref_slice %arg12[%rem3A_205] : memref<4x!tpu.dma_semaphore, #tpu.memory_space<semaphore_mem>> -> memref<1x!tpu.dma_semaphore, #tpu.memory_space<semaphore_mem>>
      %dma_start3A_266 = tpu.memref_squeeze %dma_start3A_265 : memref<1x!tpu.dma_semaphore, #tpu.memory_space<semaphore_mem>> -> memref<!tpu.dma_semaphore, #tpu.memory_space<semaphore_mem>>
      %dma_start3A_267 = arith.constant 0 : i32
      %dma_start3A_268 = tpu.memref_slice %arg6[%add3A_244, %dma_start3A_267] : memref<160000x128xf32, #tpu.memory_space<hbm>> -> memref<40x128xf32, #tpu.memory_space<hbm>>
      %dma_start3A_269 = arith.constant 0 : i32
      %dma_start3A_270 = arith.constant 0 : i32
      %dma_start3A_271 = tpu.memref_slice %arg10[%rem3A_205, %dma_start3A_269, %dma_start3A_270] : memref<4x40x128xf32, #tpu.memory_space<vmem>> -> memref<1x40x128xf32, #tpu.memory_space<vmem>>
      %dma_start3A_272 = tpu.memref_squeeze %dma_start3A_271 : memref<1x40x128xf32, #tpu.memory_space<vmem>> -> memref<40x128xf32, #tpu.memory_space<vmem>>
      tpu.enqueue_dma source(%dma_start3A_272 : memref<40x128xf32, #tpu.memory_space<vmem>>) target(%dma_start3A_268 : memref<40x128xf32, #tpu.memory_space<hbm>>) target_semaphore(%dma_start3A_266 : memref<!tpu.dma_semaphore, #tpu.memory_space<semaphore_mem>>)
    }
    %scan3A_60 = arith.constant 125 : i32
    %dma_wait3A = arith.constant 0 : i32
    %dma_wait3A_61 = arith.constant 0 : i32
    %dma_wait3A_62 = arith.constant 0 : i32
    %dma_wait3A_63 = arith.constant 0 : i32
    %dma_wait3A_64 = tpu.memref_slice %arg9[%dma_wait3A, %dma_wait3A_62, %dma_wait3A_63] : memref<4x40x128xf32, #tpu.memory_space<vmem>> -> memref<1x40x128xf32, #tpu.memory_space<vmem>>
    %dma_wait3A_65 = tpu.memref_squeeze %dma_wait3A_64 : memref<1x40x128xf32, #tpu.memory_space<vmem>> -> memref<40x128xf32, #tpu.memory_space<vmem>>
    %dma_wait3A_66 = arith.constant 0 : i32
    %dma_wait3A_67 = arith.constant 0 : i32
    %dma_wait3A_68 = tpu.memref_slice %arg5[%dma_wait3A_66, %dma_wait3A_67] : memref<160000x128xf32, #tpu.memory_space<hbm>> -> memref<40x128xf32, #tpu.memory_space<hbm>>
    %dma_wait3A_69 = tpu.memref_slice %arg12[%dma_wait3A_61] : memref<4x!tpu.dma_semaphore, #tpu.memory_space<semaphore_mem>> -> memref<1x!tpu.dma_semaphore, #tpu.memory_space<semaphore_mem>>
    %dma_wait3A_70 = tpu.memref_squeeze %dma_wait3A_69 : memref<1x!tpu.dma_semaphore, #tpu.memory_space<semaphore_mem>> -> memref<!tpu.dma_semaphore, #tpu.memory_space<semaphore_mem>>
    %dma_wait3A_71 = arith.constant 0 : i32
    %dma_wait3A_72 = arith.constant 0 : i32
    %dma_wait3A_73 = tpu.memref_slice %arg5[%dma_wait3A_71, %dma_wait3A_72] : memref<160000x128xf32, #tpu.memory_space<hbm>> -> memref<40x128xf32, #tpu.memory_space<hbm>>
    %dma_wait3A_74 = arith.constant 0 : i32
    %dma_wait3A_75 = arith.constant 0 : i32
    %dma_wait3A_76 = tpu.memref_slice %arg9[%dma_wait3A, %dma_wait3A_74, %dma_wait3A_75] : memref<4x40x128xf32, #tpu.memory_space<vmem>> -> memref<1x40x128xf32, #tpu.memory_space<vmem>>
    %dma_wait3A_77 = tpu.memref_squeeze %dma_wait3A_76 : memref<1x40x128xf32, #tpu.memory_space<vmem>> -> memref<40x128xf32, #tpu.memory_space<vmem>>
    tpu.wait_dma2 semaphore(%dma_wait3A_70 : memref<!tpu.dma_semaphore, #tpu.memory_space<semaphore_mem>>) src(%dma_wait3A_77 : memref<40x128xf32, #tpu.memory_space<vmem>>) dst(%dma_wait3A_73 : memref<40x128xf32, #tpu.memory_space<hbm>>)
    %dma_wait3A_78 = arith.constant 0 : i32
    %dma_wait3A_79 = arith.constant 0 : i32
    %dma_wait3A_80 = arith.constant 0 : i32
    %dma_wait3A_81 = arith.constant 0 : i32
    %dma_wait3A_82 = tpu.memref_slice %arg10[%dma_wait3A_78, %dma_wait3A_80, %dma_wait3A_81] : memref<4x40x128xf32, #tpu.memory_space<vmem>> -> memref<1x40x128xf32, #tpu.memory_space<vmem>>
    %dma_wait3A_83 = tpu.memref_squeeze %dma_wait3A_82 : memref<1x40x128xf32, #tpu.memory_space<vmem>> -> memref<40x128xf32, #tpu.memory_space<vmem>>
    %dma_wait3A_84 = arith.constant 0 : i32
    %dma_wait3A_85 = arith.constant 0 : i32
    %dma_wait3A_86 = tpu.memref_slice %arg6[%dma_wait3A_84, %dma_wait3A_85] : memref<160000x128xf32, #tpu.memory_space<hbm>> -> memref<40x128xf32, #tpu.memory_space<hbm>>
    %dma_wait3A_87 = tpu.memref_slice %arg12[%dma_wait3A_79] : memref<4x!tpu.dma_semaphore, #tpu.memory_space<semaphore_mem>> -> memref<1x!tpu.dma_semaphore, #tpu.memory_space<semaphore_mem>>
    %dma_wait3A_88 = tpu.memref_squeeze %dma_wait3A_87 : memref<1x!tpu.dma_semaphore, #tpu.memory_space<semaphore_mem>> -> memref<!tpu.dma_semaphore, #tpu.memory_space<semaphore_mem>>
    %dma_wait3A_89 = arith.constant 0 : i32
    %dma_wait3A_90 = arith.constant 0 : i32
    %dma_wait3A_91 = tpu.memref_slice %arg6[%dma_wait3A_89, %dma_wait3A_90] : memref<160000x128xf32, #tpu.memory_space<hbm>> -> memref<40x128xf32, #tpu.memory_space<hbm>>
    %dma_wait3A_92 = arith.constant 0 : i32
    %dma_wait3A_93 = arith.constant 0 : i32
    %dma_wait3A_94 = tpu.memref_slice %arg10[%dma_wait3A_78, %dma_wait3A_92, %dma_wait3A_93] : memref<4x40x128xf32, #tpu.memory_space<vmem>> -> memref<1x40x128xf32, #tpu.memory_space<vmem>>
    %dma_wait3A_95 = tpu.memref_squeeze %dma_wait3A_94 : memref<1x40x128xf32, #tpu.memory_space<vmem>> -> memref<40x128xf32, #tpu.memory_space<vmem>>
    tpu.wait_dma2 semaphore(%dma_wait3A_88 : memref<!tpu.dma_semaphore, #tpu.memory_space<semaphore_mem>>) src(%dma_wait3A_95 : memref<40x128xf32, #tpu.memory_space<vmem>>) dst(%dma_wait3A_91 : memref<40x128xf32, #tpu.memory_space<hbm>>)
    %dma_wait3A_96 = arith.constant 1 : i32
    %dma_wait3A_97 = arith.constant 1 : i32
    %dma_wait3A_98 = arith.constant 0 : i32
    %dma_wait3A_99 = arith.constant 0 : i32
    %dma_wait3A_100 = tpu.memref_slice %arg9[%dma_wait3A_96, %dma_wait3A_98, %dma_wait3A_99] : memref<4x40x128xf32, #tpu.memory_space<vmem>> -> memref<1x40x128xf32, #tpu.memory_space<vmem>>
    %dma_wait3A_101 = tpu.memref_squeeze %dma_wait3A_100 : memref<1x40x128xf32, #tpu.memory_space<vmem>> -> memref<40x128xf32, #tpu.memory_space<vmem>>
    %dma_wait3A_102 = arith.constant 0 : i32
    %dma_wait3A_103 = arith.constant 0 : i32
    %dma_wait3A_104 = tpu.memref_slice %arg5[%dma_wait3A_102, %dma_wait3A_103] : memref<160000x128xf32, #tpu.memory_space<hbm>> -> memref<40x128xf32, #tpu.memory_space<hbm>>
    %dma_wait3A_105 = tpu.memref_slice %arg12[%dma_wait3A_97] : memref<4x!tpu.dma_semaphore, #tpu.memory_space<semaphore_mem>> -> memref<1x!tpu.dma_semaphore, #tpu.memory_space<semaphore_mem>>
    %dma_wait3A_106 = tpu.memref_squeeze %dma_wait3A_105 : memref<1x!tpu.dma_semaphore, #tpu.memory_space<semaphore_mem>> -> memref<!tpu.dma_semaphore, #tpu.memory_space<semaphore_mem>>
    %dma_wait3A_107 = arith.constant 0 : i32
    %dma_wait3A_108 = arith.constant 0 : i32
    %dma_wait3A_109 = tpu.memref_slice %arg5[%dma_wait3A_107, %dma_wait3A_108] : memref<160000x128xf32, #tpu.memory_space<hbm>> -> memref<40x128xf32, #tpu.memory_space<hbm>>
    %dma_wait3A_110 = arith.constant 0 : i32
    %dma_wait3A_111 = arith.constant 0 : i32
    %dma_wait3A_112 = tpu.memref_slice %arg9[%dma_wait3A_96, %dma_wait3A_110, %dma_wait3A_111] : memref<4x40x128xf32, #tpu.memory_space<vmem>> -> memref<1x40x128xf32, #tpu.memory_space<vmem>>
    %dma_wait3A_113 = tpu.memref_squeeze %dma_wait3A_112 : memref<1x40x128xf32, #tpu.memory_space<vmem>> -> memref<40x128xf32, #tpu.memory_space<vmem>>
    tpu.wait_dma2 semaphore(%dma_wait3A_106 : memref<!tpu.dma_semaphore, #tpu.memory_space<semaphore_mem>>) src(%dma_wait3A_113 : memref<40x128xf32, #tpu.memory_space<vmem>>) dst(%dma_wait3A_109 : memref<40x128xf32, #tpu.memory_space<hbm>>)
    %dma_wait3A_114 = arith.constant 1 : i32
    %dma_wait3A_115 = arith.constant 1 : i32
    %dma_wait3A_116 = arith.constant 0 : i32
    %dma_wait3A_117 = arith.constant 0 : i32
    %dma_wait3A_118 = tpu.memref_slice %arg10[%dma_wait3A_114, %dma_wait3A_116, %dma_wait3A_117] : memref<4x40x128xf32, #tpu.memory_space<vmem>> -> memref<1x40x128xf32, #tpu.memory_space<vmem>>
    %dma_wait3A_119 = tpu.memref_squeeze %dma_wait3A_118 : memref<1x40x128xf32, #tpu.memory_space<vmem>> -> memref<40x128xf32, #tpu.memory_space<vmem>>
    %dma_wait3A_120 = arith.constant 0 : i32
    %dma_wait3A_121 = arith.constant 0 : i32
    %dma_wait3A_122 = tpu.memref_slice %arg6[%dma_wait3A_120, %dma_wait3A_121] : memref<160000x128xf32, #tpu.memory_space<hbm>> -> memref<40x128xf32, #tpu.memory_space<hbm>>
    %dma_wait3A_123 = tpu.memref_slice %arg12[%dma_wait3A_115] : memref<4x!tpu.dma_semaphore, #tpu.memory_space<semaphore_mem>> -> memref<1x!tpu.dma_semaphore, #tpu.memory_space<semaphore_mem>>
    %dma_wait3A_124 = tpu.memref_squeeze %dma_wait3A_123 : memref<1x!tpu.dma_semaphore, #tpu.memory_space<semaphore_mem>> -> memref<!tpu.dma_semaphore, #tpu.memory_space<semaphore_mem>>
    %dma_wait3A_125 = arith.constant 0 : i32
    %dma_wait3A_126 = arith.constant 0 : i32
    %dma_wait3A_127 = tpu.memref_slice %arg6[%dma_wait3A_125, %dma_wait3A_126] : memref<160000x128xf32, #tpu.memory_space<hbm>> -> memref<40x128xf32, #tpu.memory_space<hbm>>
    %dma_wait3A_128 = arith.constant 0 : i32
    %dma_wait3A_129 = arith.constant 0 : i32
    %dma_wait3A_130 = tpu.memref_slice %arg10[%dma_wait3A_114, %dma_wait3A_128, %dma_wait3A_129] : memref<4x40x128xf32, #tpu.memory_space<vmem>> -> memref<1x40x128xf32, #tpu.memory_space<vmem>>
    %dma_wait3A_131 = tpu.memref_squeeze %dma_wait3A_130 : memref<1x40x128xf32, #tpu.memory_space<vmem>> -> memref<40x128xf32, #tpu.memory_space<vmem>>
    tpu.wait_dma2 semaphore(%dma_wait3A_124 : memref<!tpu.dma_semaphore, #tpu.memory_space<semaphore_mem>>) src(%dma_wait3A_131 : memref<40x128xf32, #tpu.memory_space<vmem>>) dst(%dma_wait3A_127 : memref<40x128xf32, #tpu.memory_space<hbm>>)
    %dma_wait3A_132 = arith.constant 2 : i32
    %dma_wait3A_133 = arith.constant 2 : i32
    %dma_wait3A_134 = arith.constant 0 : i32
    %dma_wait3A_135 = arith.constant 0 : i32
    %dma_wait3A_136 = tpu.memref_slice %arg9[%dma_wait3A_132, %dma_wait3A_134, %dma_wait3A_135] : memref<4x40x128xf32, #tpu.memory_space<vmem>> -> memref<1x40x128xf32, #tpu.memory_space<vmem>>
    %dma_wait3A_137 = tpu.memref_squeeze %dma_wait3A_136 : memref<1x40x128xf32, #tpu.memory_space<vmem>> -> memref<40x128xf32, #tpu.memory_space<vmem>>
    %dma_wait3A_138 = arith.constant 0 : i32
    %dma_wait3A_139 = arith.constant 0 : i32
    %dma_wait3A_140 = tpu.memref_slice %arg5[%dma_wait3A_138, %dma_wait3A_139] : memref<160000x128xf32, #tpu.memory_space<hbm>> -> memref<40x128xf32, #tpu.memory_space<hbm>>
    %dma_wait3A_141 = tpu.memref_slice %arg12[%dma_wait3A_133] : memref<4x!tpu.dma_semaphore, #tpu.memory_space<semaphore_mem>> -> memref<1x!tpu.dma_semaphore, #tpu.memory_space<semaphore_mem>>
    %dma_wait3A_142 = tpu.memref_squeeze %dma_wait3A_141 : memref<1x!tpu.dma_semaphore, #tpu.memory_space<semaphore_mem>> -> memref<!tpu.dma_semaphore, #tpu.memory_space<semaphore_mem>>
    %dma_wait3A_143 = arith.constant 0 : i32
    %dma_wait3A_144 = arith.constant 0 : i32
    %dma_wait3A_145 = tpu.memref_slice %arg5[%dma_wait3A_143, %dma_wait3A_144] : memref<160000x128xf32, #tpu.memory_space<hbm>> -> memref<40x128xf32, #tpu.memory_space<hbm>>
    %dma_wait3A_146 = arith.constant 0 : i32
    %dma_wait3A_147 = arith.constant 0 : i32
    %dma_wait3A_148 = tpu.memref_slice %arg9[%dma_wait3A_132, %dma_wait3A_146, %dma_wait3A_147] : memref<4x40x128xf32, #tpu.memory_space<vmem>> -> memref<1x40x128xf32, #tpu.memory_space<vmem>>
    %dma_wait3A_149 = tpu.memref_squeeze %dma_wait3A_148 : memref<1x40x128xf32, #tpu.memory_space<vmem>> -> memref<40x128xf32, #tpu.memory_space<vmem>>
    tpu.wait_dma2 semaphore(%dma_wait3A_142 : memref<!tpu.dma_semaphore, #tpu.memory_space<semaphore_mem>>) src(%dma_wait3A_149 : memref<40x128xf32, #tpu.memory_space<vmem>>) dst(%dma_wait3A_145 : memref<40x128xf32, #tpu.memory_space<hbm>>)
    %dma_wait3A_150 = arith.constant 2 : i32
    %dma_wait3A_151 = arith.constant 2 : i32
    %dma_wait3A_152 = arith.constant 0 : i32
    %dma_wait3A_153 = arith.constant 0 : i32
    %dma_wait3A_154 = tpu.memref_slice %arg10[%dma_wait3A_150, %dma_wait3A_152, %dma_wait3A_153] : memref<4x40x128xf32, #tpu.memory_space<vmem>> -> memref<1x40x128xf32, #tpu.memory_space<vmem>>
    %dma_wait3A_155 = tpu.memref_squeeze %dma_wait3A_154 : memref<1x40x128xf32, #tpu.memory_space<vmem>> -> memref<40x128xf32, #tpu.memory_space<vmem>>
    %dma_wait3A_156 = arith.constant 0 : i32
    %dma_wait3A_157 = arith.constant 0 : i32
    %dma_wait3A_158 = tpu.memref_slice %arg6[%dma_wait3A_156, %dma_wait3A_157] : memref<160000x128xf32, #tpu.memory_space<hbm>> -> memref<40x128xf32, #tpu.memory_space<hbm>>
    %dma_wait3A_159 = tpu.memref_slice %arg12[%dma_wait3A_151] : memref<4x!tpu.dma_semaphore, #tpu.memory_space<semaphore_mem>> -> memref<1x!tpu.dma_semaphore, #tpu.memory_space<semaphore_mem>>
    %dma_wait3A_160 = tpu.memref_squeeze %dma_wait3A_159 : memref<1x!tpu.dma_semaphore, #tpu.memory_space<semaphore_mem>> -> memref<!tpu.dma_semaphore, #tpu.memory_space<semaphore_mem>>
    %dma_wait3A_161 = arith.constant 0 : i32
    %dma_wait3A_162 = arith.constant 0 : i32
    %dma_wait3A_163 = tpu.memref_slice %arg6[%dma_wait3A_161, %dma_wait3A_162] : memref<160000x128xf32, #tpu.memory_space<hbm>> -> memref<40x128xf32, #tpu.memory_space<hbm>>
    %dma_wait3A_164 = arith.constant 0 : i32
    %dma_wait3A_165 = arith.constant 0 : i32
    %dma_wait3A_166 = tpu.memref_slice %arg10[%dma_wait3A_150, %dma_wait3A_164, %dma_wait3A_165] : memref<4x40x128xf32, #tpu.memory_space<vmem>> -> memref<1x40x128xf32, #tpu.memory_space<vmem>>
    %dma_wait3A_167 = tpu.memref_squeeze %dma_wait3A_166 : memref<1x40x128xf32, #tpu.memory_space<vmem>> -> memref<40x128xf32, #tpu.memory_space<vmem>>
    tpu.wait_dma2 semaphore(%dma_wait3A_160 : memref<!tpu.dma_semaphore, #tpu.memory_space<semaphore_mem>>) src(%dma_wait3A_167 : memref<40x128xf32, #tpu.memory_space<vmem>>) dst(%dma_wait3A_163 : memref<40x128xf32, #tpu.memory_space<hbm>>)
    %dma_wait3A_168 = arith.constant 3 : i32
    %dma_wait3A_169 = arith.constant 3 : i32
    %dma_wait3A_170 = arith.constant 0 : i32
    %dma_wait3A_171 = arith.constant 0 : i32
    %dma_wait3A_172 = tpu.memref_slice %arg9[%dma_wait3A_168, %dma_wait3A_170, %dma_wait3A_171] : memref<4x40x128xf32, #tpu.memory_space<vmem>> -> memref<1x40x128xf32, #tpu.memory_space<vmem>>
    %dma_wait3A_173 = tpu.memref_squeeze %dma_wait3A_172 : memref<1x40x128xf32, #tpu.memory_space<vmem>> -> memref<40x128xf32, #tpu.memory_space<vmem>>
    %dma_wait3A_174 = arith.constant 0 : i32
    %dma_wait3A_175 = arith.constant 0 : i32
    %dma_wait3A_176 = tpu.memref_slice %arg5[%dma_wait3A_174, %dma_wait3A_175] : memref<160000x128xf32, #tpu.memory_space<hbm>> -> memref<40x128xf32, #tpu.memory_space<hbm>>
    %dma_wait3A_177 = tpu.memref_slice %arg12[%dma_wait3A_169] : memref<4x!tpu.dma_semaphore, #tpu.memory_space<semaphore_mem>> -> memref<1x!tpu.dma_semaphore, #tpu.memory_space<semaphore_mem>>
    %dma_wait3A_178 = tpu.memref_squeeze %dma_wait3A_177 : memref<1x!tpu.dma_semaphore, #tpu.memory_space<semaphore_mem>> -> memref<!tpu.dma_semaphore, #tpu.memory_space<semaphore_mem>>
    %dma_wait3A_179 = arith.constant 0 : i32
    %dma_wait3A_180 = arith.constant 0 : i32
    %dma_wait3A_181 = tpu.memref_slice %arg5[%dma_wait3A_179, %dma_wait3A_180] : memref<160000x128xf32, #tpu.memory_space<hbm>> -> memref<40x128xf32, #tpu.memory_space<hbm>>
    %dma_wait3A_182 = arith.constant 0 : i32
    %dma_wait3A_183 = arith.constant 0 : i32
    %dma_wait3A_184 = tpu.memref_slice %arg9[%dma_wait3A_168, %dma_wait3A_182, %dma_wait3A_183] : memref<4x40x128xf32, #tpu.memory_space<vmem>> -> memref<1x40x128xf32, #tpu.memory_space<vmem>>
    %dma_wait3A_185 = tpu.memref_squeeze %dma_wait3A_184 : memref<1x40x128xf32, #tpu.memory_space<vmem>> -> memref<40x128xf32, #tpu.memory_space<vmem>>
    tpu.wait_dma2 semaphore(%dma_wait3A_178 : memref<!tpu.dma_semaphore, #tpu.memory_space<semaphore_mem>>) src(%dma_wait3A_185 : memref<40x128xf32, #tpu.memory_space<vmem>>) dst(%dma_wait3A_181 : memref<40x128xf32, #tpu.memory_space<hbm>>)
    %dma_wait3A_186 = arith.constant 3 : i32
    %dma_wait3A_187 = arith.constant 3 : i32
    %dma_wait3A_188 = arith.constant 0 : i32
    %dma_wait3A_189 = arith.constant 0 : i32
    %dma_wait3A_190 = tpu.memref_slice %arg10[%dma_wait3A_186, %dma_wait3A_188, %dma_wait3A_189] : memref<4x40x128xf32, #tpu.memory_space<vmem>> -> memref<1x40x128xf32, #tpu.memory_space<vmem>>
    %dma_wait3A_191 = tpu.memref_squeeze %dma_wait3A_190 : memref<1x40x128xf32, #tpu.memory_space<vmem>> -> memref<40x128xf32, #tpu.memory_space<vmem>>
    %dma_wait3A_192 = arith.constant 0 : i32
    %dma_wait3A_193 = arith.constant 0 : i32
    %dma_wait3A_194 = tpu.memref_slice %arg6[%dma_wait3A_192, %dma_wait3A_193] : memref<160000x128xf32, #tpu.memory_space<hbm>> -> memref<40x128xf32, #tpu.memory_space<hbm>>
    %dma_wait3A_195 = tpu.memref_slice %arg12[%dma_wait3A_187] : memref<4x!tpu.dma_semaphore, #tpu.memory_space<semaphore_mem>> -> memref<1x!tpu.dma_semaphore, #tpu.memory_space<semaphore_mem>>
    %dma_wait3A_196 = tpu.memref_squeeze %dma_wait3A_195 : memref<1x!tpu.dma_semaphore, #tpu.memory_space<semaphore_mem>> -> memref<!tpu.dma_semaphore, #tpu.memory_space<semaphore_mem>>
    %dma_wait3A_197 = arith.constant 0 : i32
    %dma_wait3A_198 = arith.constant 0 : i32
    %dma_wait3A_199 = tpu.memref_slice %arg6[%dma_wait3A_197, %dma_wait3A_198] : memref<160000x128xf32, #tpu.memory_space<hbm>> -> memref<40x128xf32, #tpu.memory_space<hbm>>
    %dma_wait3A_200 = arith.constant 0 : i32
    %dma_wait3A_201 = arith.constant 0 : i32
    %dma_wait3A_202 = tpu.memref_slice %arg10[%dma_wait3A_186, %dma_wait3A_200, %dma_wait3A_201] : memref<4x40x128xf32, #tpu.memory_space<vmem>> -> memref<1x40x128xf32, #tpu.memory_space<vmem>>
    %dma_wait3A_203 = tpu.memref_squeeze %dma_wait3A_202 : memref<1x40x128xf32, #tpu.memory_space<vmem>> -> memref<40x128xf32, #tpu.memory_space<vmem>>
    tpu.wait_dma2 semaphore(%dma_wait3A_196 : memref<!tpu.dma_semaphore, #tpu.memory_space<semaphore_mem>>) src(%dma_wait3A_203 : memref<40x128xf32, #tpu.memory_space<vmem>>) dst(%dma_wait3A_199 : memref<40x128xf32, #tpu.memory_space<hbm>>)
    return
  }
}

#map = affine_map<(d0, d1) -> (0, 0)>
#map1 = affine_map<(d0, d1) -> (0)>
module attributes {stable_mosaic.version = 14 : i64} {
  func.func @_gather(%arg0: i32, %arg1: i32, %arg2: memref<10000x128xf32, #tpu.memory_space<hbm>>, %arg3: memref<320000xi32, #tpu.memory_space<hbm>>, %arg4: memref<320000xi32, #tpu.memory_space<hbm>>, %arg5: memref<160000x128xf32, #tpu.memory_space<hbm>>, %arg6: memref<160000x128xf32, #tpu.memory_space<hbm>>, %arg7: memref<5000xi32, #tpu.memory_space<vmem>>, %arg8: memref<5000xi32, #tpu.memory_space<vmem>>, %arg9: memref<4x40x128xf32, #tpu.memory_space<vmem>>, %arg10: memref<4x40x128xf32, #tpu.memory_space<vmem>>, %arg11: memref<4x!tpu.dma_semaphore, #tpu.memory_space<semaphore_mem>>, %arg12: memref<4x!tpu.dma_semaphore, #tpu.memory_space<semaphore_mem>>) attributes {dimension_semantics = [#tpu.dimension_semantics<core_parallel>, #tpu.dimension_semantics<subcore_parallel>], iteration_bounds = array<i64: 2, 16>, scalar_prefetch = 0 : i64, scratch_operands = 6 : i64, tpu.core_type = #tpu.core_type<sc_vector_subcore>, window_params = [{transform_indices = #map}, {transform_indices = #map1}, {transform_indices = #map1}, {transform_indices = #map}, {transform_indices = #map}]} {
    %mul3A = arith.constant 2 : i32
    %mul3A_0 = arith.muli %arg1, %mul3A : i32
    %add3A = arith.addi %mul3A_0, %arg0 : i32
    %mul3A_1 = arith.constant 5000 : i32
    %mul3A_2 = arith.muli %add3A, %mul3A_1 : i32
    %add3A_3 = arith.constant 0 : i32
    %add3A_4 = arith.addi %add3A_3, %mul3A_2 : i32
    "tpu.region"() ({
      %run_scoped3A = tpu.sem_alloc : memref<!tpu.dma_semaphore, #tpu.memory_space<semaphore_mem>>
      %dma_start3A_204 = tpu.memref_slice %arg3[%add3A_4] : memref<320000xi32, #tpu.memory_space<hbm>> -> memref<5000xi32, #tpu.memory_space<hbm>>
      %dma_start3A_205 = tpu.memref_slice %arg3[%add3A_4] : memref<320000xi32, #tpu.memory_space<hbm>> -> memref<5000xi32, #tpu.memory_space<hbm>>
      tpu.enqueue_dma source(%dma_start3A_205 : memref<5000xi32, #tpu.memory_space<hbm>>) target(%arg7 : memref<5000xi32, #tpu.memory_space<vmem>>) target_semaphore(%run_scoped3A : memref<!tpu.dma_semaphore, #tpu.memory_space<semaphore_mem>>)
      %dma_wait3A_206 = tpu.memref_slice %arg3[%add3A_4] : memref<320000xi32, #tpu.memory_space<hbm>> -> memref<5000xi32, #tpu.memory_space<hbm>>
      %dma_wait3A_207 = tpu.memref_slice %arg3[%add3A_4] : memref<320000xi32, #tpu.memory_space<hbm>> -> memref<5000xi32, #tpu.memory_space<hbm>>
      tpu.wait_dma2 semaphore(%run_scoped3A : memref<!tpu.dma_semaphore, #tpu.memory_space<semaphore_mem>>) src(%dma_wait3A_207 : memref<5000xi32, #tpu.memory_space<hbm>>) dst(%arg7 : memref<5000xi32, #tpu.memory_space<vmem>>)
      tpu.yield
    }) : () -> ()
    "tpu.region"() ({
      %run_scoped3A = tpu.sem_alloc : memref<!tpu.dma_semaphore, #tpu.memory_space<semaphore_mem>>
      %dma_start3A_204 = tpu.memref_slice %arg4[%add3A_4] : memref<320000xi32, #tpu.memory_space<hbm>> -> memref<5000xi32, #tpu.memory_space<hbm>>
      %dma_start3A_205 = tpu.memref_slice %arg4[%add3A_4] : memref<320000xi32, #tpu.memory_space<hbm>> -> memref<5000xi32, #tpu.memory_space<hbm>>
      tpu.enqueue_dma source(%dma_start3A_205 : memref<5000xi32, #tpu.memory_space<hbm>>) target(%arg8 : memref<5000xi32, #tpu.memory_space<vmem>>) target_semaphore(%run_scoped3A : memref<!tpu.dma_semaphore, #tpu.memory_space<semaphore_mem>>)
      %dma_wait3A_206 = tpu.memref_slice %arg4[%add3A_4] : memref<320000xi32, #tpu.memory_space<hbm>> -> memref<5000xi32, #tpu.memory_space<hbm>>
      %dma_wait3A_207 = tpu.memref_slice %arg4[%add3A_4] : memref<320000xi32, #tpu.memory_space<hbm>> -> memref<5000xi32, #tpu.memory_space<hbm>>
      tpu.wait_dma2 semaphore(%run_scoped3A : memref<!tpu.dma_semaphore, #tpu.memory_space<semaphore_mem>>) src(%dma_wait3A_207 : memref<5000xi32, #tpu.memory_space<hbm>>) dst(%arg8 : memref<5000xi32, #tpu.memory_space<vmem>>)
      tpu.yield
    }) : () -> ()
    %dma_start3A = arith.constant 0 : i32
    %dma_start3A_5 = arith.constant 0 : i32
    %dma_start3A_6 = arith.constant 0 : i32
    %dma_start3A_7 = arith.constant 0 : i32
    %dma_start3A_8 = tpu.memref_slice %arg9[%dma_start3A, %dma_start3A_6, %dma_start3A_7] : memref<4x40x128xf32, #tpu.memory_space<vmem>> -> memref<1x40x128xf32, #tpu.memory_space<vmem>>
    %dma_start3A_9 = tpu.memref_squeeze %dma_start3A_8 : memref<1x40x128xf32, #tpu.memory_space<vmem>> -> memref<40x128xf32, #tpu.memory_space<vmem>>
    %dma_start3A_10 = arith.constant 0 : i32
    %dma_start3A_11 = tpu.memref_slice %arg7[%dma_start3A_10] : memref<5000xi32, #tpu.memory_space<vmem>> -> memref<40xi32, #tpu.memory_space<vmem>>
    %dma_start3A_12 = arith.constant 0 : i32
    %dma_start3A_13 = arith.constant 0 : i32
    %dma_start3A_14 = tpu.memref_slice %arg2[%dma_start3A_12, %dma_start3A_13] : memref<10000x128xf32, #tpu.memory_space<hbm>> -> memref<10000x128xf32, #tpu.memory_space<hbm>>
    %dma_start3A_15 = tpu.memref_slice %arg11[%dma_start3A_5] : memref<4x!tpu.dma_semaphore, #tpu.memory_space<semaphore_mem>> -> memref<1x!tpu.dma_semaphore, #tpu.memory_space<semaphore_mem>>
    %dma_start3A_16 = tpu.memref_squeeze %dma_start3A_15 : memref<1x!tpu.dma_semaphore, #tpu.memory_space<semaphore_mem>> -> memref<!tpu.dma_semaphore, #tpu.memory_space<semaphore_mem>>
    tpu.enqueue_indirect_dma source(%dma_start3A_14 : memref<10000x128xf32, #tpu.memory_space<hbm>>) target(%dma_start3A_9 : memref<40x128xf32, #tpu.memory_space<vmem>>) offsets(%dma_start3A_11 : memref<40xi32, #tpu.memory_space<vmem>>) semaphore(%dma_start3A_16 : memref<!tpu.dma_semaphore, #tpu.memory_space<semaphore_mem>>)
    %dma_start3A_17 = arith.constant 0 : i32
    %dma_start3A_18 = arith.constant 0 : i32
    %dma_start3A_19 = arith.constant 0 : i32
    %dma_start3A_20 = arith.constant 0 : i32
    %dma_start3A_21 = tpu.memref_slice %arg10[%dma_start3A_17, %dma_start3A_19, %dma_start3A_20] : memref<4x40x128xf32, #tpu.memory_space<vmem>> -> memref<1x40x128xf32, #tpu.memory_space<vmem>>
    %dma_start3A_22 = tpu.memref_squeeze %dma_start3A_21 : memref<1x40x128xf32, #tpu.memory_space<vmem>> -> memref<40x128xf32, #tpu.memory_space<vmem>>
    %dma_start3A_23 = arith.constant 0 : i32
    %dma_start3A_24 = tpu.memref_slice %arg8[%dma_start3A_23] : memref<5000xi32, #tpu.memory_space<vmem>> -> memref<40xi32, #tpu.memory_space<vmem>>
    %dma_start3A_25 = arith.constant 0 : i32
    %dma_start3A_26 = arith.constant 0 : i32
    %dma_start3A_27 = tpu.memref_slice %arg2[%dma_start3A_25, %dma_start3A_26] : memref<10000x128xf32, #tpu.memory_space<hbm>> -> memref<10000x128xf32, #tpu.memory_space<hbm>>
    %dma_start3A_28 = tpu.memref_slice %arg11[%dma_start3A_18] : memref<4x!tpu.dma_semaphore, #tpu.memory_space<semaphore_mem>> -> memref<1x!tpu.dma_semaphore, #tpu.memory_space<semaphore_mem>>
    %dma_start3A_29 = tpu.memref_squeeze %dma_start3A_28 : memref<1x!tpu.dma_semaphore, #tpu.memory_space<semaphore_mem>> -> memref<!tpu.dma_semaphore, #tpu.memory_space<semaphore_mem>>
    tpu.enqueue_indirect_dma source(%dma_start3A_27 : memref<10000x128xf32, #tpu.memory_space<hbm>>) target(%dma_start3A_22 : memref<40x128xf32, #tpu.memory_space<vmem>>) offsets(%dma_start3A_24 : memref<40xi32, #tpu.memory_space<vmem>>) semaphore(%dma_start3A_29 : memref<!tpu.dma_semaphore, #tpu.memory_space<semaphore_mem>>)
    %dma_start3A_30 = arith.constant 1 : i32
    %dma_start3A_31 = arith.constant 1 : i32
    %dma_start3A_32 = arith.constant 0 : i32
    %dma_start3A_33 = arith.constant 0 : i32
    %dma_start3A_34 = tpu.memref_slice %arg9[%dma_start3A_30, %dma_start3A_32, %dma_start3A_33] : memref<4x40x128xf32, #tpu.memory_space<vmem>> -> memref<1x40x128xf32, #tpu.memory_space<vmem>>
    %dma_start3A_35 = tpu.memref_squeeze %dma_start3A_34 : memref<1x40x128xf32, #tpu.memory_space<vmem>> -> memref<40x128xf32, #tpu.memory_space<vmem>>
    %dma_start3A_36 = arith.constant 40 : i32
    %dma_start3A_37 = tpu.memref_slice %arg7[%dma_start3A_36] : memref<5000xi32, #tpu.memory_space<vmem>> -> memref<40xi32, #tpu.memory_space<vmem>>
    %dma_start3A_38 = arith.constant 0 : i32
    %dma_start3A_39 = arith.constant 0 : i32
    %dma_start3A_40 = tpu.memref_slice %arg2[%dma_start3A_38, %dma_start3A_39] : memref<10000x128xf32, #tpu.memory_space<hbm>> -> memref<10000x128xf32, #tpu.memory_space<hbm>>
    %dma_start3A_41 = tpu.memref_slice %arg11[%dma_start3A_31] : memref<4x!tpu.dma_semaphore, #tpu.memory_space<semaphore_mem>> -> memref<1x!tpu.dma_semaphore, #tpu.memory_space<semaphore_mem>>
    %dma_start3A_42 = tpu.memref_squeeze %dma_start3A_41 : memref<1x!tpu.dma_semaphore, #tpu.memory_space<semaphore_mem>> -> memref<!tpu.dma_semaphore, #tpu.memory_space<semaphore_mem>>
    tpu.enqueue_indirect_dma source(%dma_start3A_40 : memref<10000x128xf32, #tpu.memory_space<hbm>>) target(%dma_start3A_35 : memref<40x128xf32, #tpu.memory_space<vmem>>) offsets(%dma_start3A_37 : memref<40xi32, #tpu.memory_space<vmem>>) semaphore(%dma_start3A_42 : memref<!tpu.dma_semaphore, #tpu.memory_space<semaphore_mem>>)
    %dma_start3A_43 = arith.constant 1 : i32
    %dma_start3A_44 = arith.constant 1 : i32
    %dma_start3A_45 = arith.constant 0 : i32
    %dma_start3A_46 = arith.constant 0 : i32
    %dma_start3A_47 = tpu.memref_slice %arg10[%dma_start3A_43, %dma_start3A_45, %dma_start3A_46] : memref<4x40x128xf32, #tpu.memory_space<vmem>> -> memref<1x40x128xf32, #tpu.memory_space<vmem>>
    %dma_start3A_48 = tpu.memref_squeeze %dma_start3A_47 : memref<1x40x128xf32, #tpu.memory_space<vmem>> -> memref<40x128xf32, #tpu.memory_space<vmem>>
    %dma_start3A_49 = arith.constant 40 : i32
    %dma_start3A_50 = tpu.memref_slice %arg8[%dma_start3A_49] : memref<5000xi32, #tpu.memory_space<vmem>> -> memref<40xi32, #tpu.memory_space<vmem>>
    %dma_start3A_51 = arith.constant 0 : i32
    %dma_start3A_52 = arith.constant 0 : i32
    %dma_start3A_53 = tpu.memref_slice %arg2[%dma_start3A_51, %dma_start3A_52] : memref<10000x128xf32, #tpu.memory_space<hbm>> -> memref<10000x128xf32, #tpu.memory_space<hbm>>
    %dma_start3A_54 = tpu.memref_slice %arg11[%dma_start3A_44] : memref<4x!tpu.dma_semaphore, #tpu.memory_space<semaphore_mem>> -> memref<1x!tpu.dma_semaphore, #tpu.memory_space<semaphore_mem>>
    %dma_start3A_55 = tpu.memref_squeeze %dma_start3A_54 : memref<1x!tpu.dma_semaphore, #tpu.memory_space<semaphore_mem>> -> memref<!tpu.dma_semaphore, #tpu.memory_space<semaphore_mem>>
    tpu.enqueue_indirect_dma source(%dma_start3A_53 : memref<10000x128xf32, #tpu.memory_space<hbm>>) target(%dma_start3A_48 : memref<40x128xf32, #tpu.memory_space<vmem>>) offsets(%dma_start3A_50 : memref<40xi32, #tpu.memory_space<vmem>>) semaphore(%dma_start3A_55 : memref<!tpu.dma_semaphore, #tpu.memory_space<semaphore_mem>>)
    %scan3A = arith.constant 0 : i32
    %scan3A_56 = arith.constant 0 : i32
    %scan3A_57 = arith.constant 125 : i32
    %scan3A_58 = arith.addi %scan3A_56, %scan3A_57 : i32
    %scan3A_59 = arith.constant 1 : i32
    scf.for %scan3A_204 = %scan3A_56 to %scan3A_58 step %scan3A_59  : i32 {
      %rem3A = arith.constant 4 : i32
      %rem3A_205 = arith.remsi %scan3A_204, %rem3A : i32
      %add3A_206 = arith.constant 2 : i32
      %add3A_207 = arith.addi %scan3A_204, %add3A_206 : i32
      %lt3A = arith.constant 125 : i32
      %lt3A_208 = arith.cmpi slt, %add3A_207, %lt3A : i32
      %convert_element_type3A = arith.extui %lt3A_208 : i1 to i32
      %cond3A = arith.constant 0 : i32
      %cond3A_209 = arith.cmpi ne, %convert_element_type3A, %cond3A : i32
      scf.if %cond3A_209 {
        %add3A_273 = arith.constant 2 : i32
        %add3A_274 = arith.addi %scan3A_204, %add3A_273 : i32
        %rem3A_275 = arith.constant 4 : i32
        %rem3A_276 = arith.remsi %add3A_274, %rem3A_275 : i32
        %ge3A = arith.constant 2 : i32
        %ge3A_277 = arith.cmpi sge, %scan3A_204, %ge3A : i32
        %convert_element_type3A_278 = arith.extui %ge3A_277 : i1 to i32
        %cond3A_279 = arith.constant 0 : i32
        %cond3A_280 = arith.cmpi ne, %convert_element_type3A_278, %cond3A_279 : i32
        scf.if %cond3A_280 {
          %dma_wait3A_307 = arith.constant 0 : i32
          %dma_wait3A_308 = arith.constant 0 : i32
          %dma_wait3A_309 = tpu.memref_slice %arg9[%rem3A_276, %dma_wait3A_307, %dma_wait3A_308] : memref<4x40x128xf32, #tpu.memory_space<vmem>> -> memref<1x40x128xf32, #tpu.memory_space<vmem>>
          %dma_wait3A_310 = tpu.memref_squeeze %dma_wait3A_309 : memref<1x40x128xf32, #tpu.memory_space<vmem>> -> memref<40x128xf32, #tpu.memory_space<vmem>>
          %dma_wait3A_311 = arith.constant 0 : i32
          %dma_wait3A_312 = arith.constant 0 : i32
          %dma_wait3A_313 = tpu.memref_slice %arg5[%dma_wait3A_311, %dma_wait3A_312] : memref<160000x128xf32, #tpu.memory_space<hbm>> -> memref<40x128xf32, #tpu.memory_space<hbm>>
          %dma_wait3A_314 = tpu.memref_slice %arg12[%rem3A_276] : memref<4x!tpu.dma_semaphore, #tpu.memory_space<semaphore_mem>> -> memref<1x!tpu.dma_semaphore, #tpu.memory_space<semaphore_mem>>
          %dma_wait3A_315 = tpu.memref_squeeze %dma_wait3A_314 : memref<1x!tpu.dma_semaphore, #tpu.memory_space<semaphore_mem>> -> memref<!tpu.dma_semaphore, #tpu.memory_space<semaphore_mem>>
          %dma_wait3A_316 = arith.constant 0 : i32
          %dma_wait3A_317 = arith.constant 0 : i32
          %dma_wait3A_318 = tpu.memref_slice %arg5[%dma_wait3A_316, %dma_wait3A_317] : memref<160000x128xf32, #tpu.memory_space<hbm>> -> memref<40x128xf32, #tpu.memory_space<hbm>>
          %dma_wait3A_319 = arith.constant 0 : i32
          %dma_wait3A_320 = arith.constant 0 : i32
          %dma_wait3A_321 = tpu.memref_slice %arg9[%rem3A_276, %dma_wait3A_319, %dma_wait3A_320] : memref<4x40x128xf32, #tpu.memory_space<vmem>> -> memref<1x40x128xf32, #tpu.memory_space<vmem>>
          %dma_wait3A_322 = tpu.memref_squeeze %dma_wait3A_321 : memref<1x40x128xf32, #tpu.memory_space<vmem>> -> memref<40x128xf32, #tpu.memory_space<vmem>>
          tpu.wait_dma2 semaphore(%dma_wait3A_315 : memref<!tpu.dma_semaphore, #tpu.memory_space<semaphore_mem>>) src(%dma_wait3A_322 : memref<40x128xf32, #tpu.memory_space<vmem>>) dst(%dma_wait3A_318 : memref<40x128xf32, #tpu.memory_space<hbm>>)
          %dma_wait3A_323 = arith.constant 0 : i32
          %dma_wait3A_324 = arith.constant 0 : i32
          %dma_wait3A_325 = tpu.memref_slice %arg10[%rem3A_276, %dma_wait3A_323, %dma_wait3A_324] : memref<4x40x128xf32, #tpu.memory_space<vmem>> -> memref<1x40x128xf32, #tpu.memory_space<vmem>>
          %dma_wait3A_326 = tpu.memref_squeeze %dma_wait3A_325 : memref<1x40x128xf32, #tpu.memory_space<vmem>> -> memref<40x128xf32, #tpu.memory_space<vmem>>
          %dma_wait3A_327 = arith.constant 0 : i32
          %dma_wait3A_328 = arith.constant 0 : i32
          %dma_wait3A_329 = tpu.memref_slice %arg6[%dma_wait3A_327, %dma_wait3A_328] : memref<160000x128xf32, #tpu.memory_space<hbm>> -> memref<40x128xf32, #tpu.memory_space<hbm>>
          %dma_wait3A_330 = tpu.memref_slice %arg12[%rem3A_276] : memref<4x!tpu.dma_semaphore, #tpu.memory_space<semaphore_mem>> -> memref<1x!tpu.dma_semaphore, #tpu.memory_space<semaphore_mem>>
          %dma_wait3A_331 = tpu.memref_squeeze %dma_wait3A_330 : memref<1x!tpu.dma_semaphore, #tpu.memory_space<semaphore_mem>> -> memref<!tpu.dma_semaphore, #tpu.memory_space<semaphore_mem>>
          %dma_wait3A_332 = arith.constant 0 : i32
          %dma_wait3A_333 = arith.constant 0 : i32
          %dma_wait3A_334 = tpu.memref_slice %arg6[%dma_wait3A_332, %dma_wait3A_333] : memref<160000x128xf32, #tpu.memory_space<hbm>> -> memref<40x128xf32, #tpu.memory_space<hbm>>
          %dma_wait3A_335 = arith.constant 0 : i32
          %dma_wait3A_336 = arith.constant 0 : i32
          %dma_wait3A_337 = tpu.memref_slice %arg10[%rem3A_276, %dma_wait3A_335, %dma_wait3A_336] : memref<4x40x128xf32, #tpu.memory_space<vmem>> -> memref<1x40x128xf32, #tpu.memory_space<vmem>>
          %dma_wait3A_338 = tpu.memref_squeeze %dma_wait3A_337 : memref<1x40x128xf32, #tpu.memory_space<vmem>> -> memref<40x128xf32, #tpu.memory_space<vmem>>
          tpu.wait_dma2 semaphore(%dma_wait3A_331 : memref<!tpu.dma_semaphore, #tpu.memory_space<semaphore_mem>>) src(%dma_wait3A_338 : memref<40x128xf32, #tpu.memory_space<vmem>>) dst(%dma_wait3A_334 : memref<40x128xf32, #tpu.memory_space<hbm>>)
        } else {
        }
        %add3A_281 = arith.constant 2 : i32
        %add3A_282 = arith.addi %scan3A_204, %add3A_281 : i32
        %mul3A_283 = arith.constant 40 : i32
        %mul3A_284 = arith.muli %add3A_282, %mul3A_283 : i32
        %dma_start3A_285 = arith.constant 0 : i32
        %dma_start3A_286 = arith.constant 0 : i32
        %dma_start3A_287 = tpu.memref_slice %arg9[%rem3A_276, %dma_start3A_285, %dma_start3A_286] : memref<4x40x128xf32, #tpu.memory_space<vmem>> -> memref<1x40x128xf32, #tpu.memory_space<vmem>>
        %dma_start3A_288 = tpu.memref_squeeze %dma_start3A_287 : memref<1x40x128xf32, #tpu.memory_space<vmem>> -> memref<40x128xf32, #tpu.memory_space<vmem>>
        %dma_start3A_289 = tpu.memref_slice %arg7[%mul3A_284] : memref<5000xi32, #tpu.memory_space<vmem>> -> memref<40xi32, #tpu.memory_space<vmem>>
        %dma_start3A_290 = arith.constant 0 : i32
        %dma_start3A_291 = arith.constant 0 : i32
        %dma_start3A_292 = tpu.memref_slice %arg2[%dma_start3A_290, %dma_start3A_291] : memref<10000x128xf32, #tpu.memory_space<hbm>> -> memref<10000x128xf32, #tpu.memory_space<hbm>>
        %dma_start3A_293 = tpu.memref_slice %arg11[%rem3A_276] : memref<4x!tpu.dma_semaphore, #tpu.memory_space<semaphore_mem>> -> memref<1x!tpu.dma_semaphore, #tpu.memory_space<semaphore_mem>>
        %dma_start3A_294 = tpu.memref_squeeze %dma_start3A_293 : memref<1x!tpu.dma_semaphore, #tpu.memory_space<semaphore_mem>> -> memref<!tpu.dma_semaphore, #tpu.memory_space<semaphore_mem>>
        tpu.enqueue_indirect_dma source(%dma_start3A_292 : memref<10000x128xf32, #tpu.memory_space<hbm>>) target(%dma_start3A_288 : memref<40x128xf32, #tpu.memory_space<vmem>>) offsets(%dma_start3A_289 : memref<40xi32, #tpu.memory_space<vmem>>) semaphore(%dma_start3A_294 : memref<!tpu.dma_semaphore, #tpu.memory_space<semaphore_mem>>)
        %mul3A_295 = arith.constant 40 : i32
        %mul3A_296 = arith.muli %add3A_282, %mul3A_295 : i32
        %dma_start3A_297 = arith.constant 0 : i32
        %dma_start3A_298 = arith.constant 0 : i32
        %dma_start3A_299 = tpu.memref_slice %arg10[%rem3A_276, %dma_start3A_297, %dma_start3A_298] : memref<4x40x128xf32, #tpu.memory_space<vmem>> -> memref<1x40x128xf32, #tpu.memory_space<vmem>>
        %dma_start3A_300 = tpu.memref_squeeze %dma_start3A_299 : memref<1x40x128xf32, #tpu.memory_space<vmem>> -> memref<40x128xf32, #tpu.memory_space<vmem>>
        %dma_start3A_301 = tpu.memref_slice %arg8[%mul3A_296] : memref<5000xi32, #tpu.memory_space<vmem>> -> memref<40xi32, #tpu.memory_space<vmem>>
        %dma_start3A_302 = arith.constant 0 : i32
        %dma_start3A_303 = arith.constant 0 : i32
        %dma_start3A_304 = tpu.memref_slice %arg2[%dma_start3A_302, %dma_start3A_303] : memref<10000x128xf32, #tpu.memory_space<hbm>> -> memref<10000x128xf32, #tpu.memory_space<hbm>>
        %dma_start3A_305 = tpu.memref_slice %arg11[%rem3A_276] : memref<4x!tpu.dma_semaphore, #tpu.memory_space<semaphore_mem>> -> memref<1x!tpu.dma_semaphore, #tpu.memory_space<semaphore_mem>>
        %dma_start3A_306 = tpu.memref_squeeze %dma_start3A_305 : memref<1x!tpu.dma_semaphore, #tpu.memory_space<semaphore_mem>> -> memref<!tpu.dma_semaphore, #tpu.memory_space<semaphore_mem>>
        tpu.enqueue_indirect_dma source(%dma_start3A_304 : memref<10000x128xf32, #tpu.memory_space<hbm>>) target(%dma_start3A_300 : memref<40x128xf32, #tpu.memory_space<vmem>>) offsets(%dma_start3A_301 : memref<40xi32, #tpu.memory_space<vmem>>) semaphore(%dma_start3A_306 : memref<!tpu.dma_semaphore, #tpu.memory_space<semaphore_mem>>)
      } else {
      }
      %dma_wait3A_210 = arith.constant 0 : i32
      %dma_wait3A_211 = arith.constant 0 : i32
      %dma_wait3A_212 = tpu.memref_slice %arg9[%rem3A_205, %dma_wait3A_210, %dma_wait3A_211] : memref<4x40x128xf32, #tpu.memory_space<vmem>> -> memref<1x40x128xf32, #tpu.memory_space<vmem>>
      %dma_wait3A_213 = tpu.memref_squeeze %dma_wait3A_212 : memref<1x40x128xf32, #tpu.memory_space<vmem>> -> memref<40x128xf32, #tpu.memory_space<vmem>>
      %dma_wait3A_214 = arith.constant 0 : i32
      %dma_wait3A_215 = arith.constant 0 : i32
      %dma_wait3A_216 = tpu.memref_slice %arg2[%dma_wait3A_214, %dma_wait3A_215] : memref<10000x128xf32, #tpu.memory_space<hbm>> -> memref<40x128xf32, #tpu.memory_space<hbm>>
      %dma_wait3A_217 = tpu.memref_slice %arg11[%rem3A_205] : memref<4x!tpu.dma_semaphore, #tpu.memory_space<semaphore_mem>> -> memref<1x!tpu.dma_semaphore, #tpu.memory_space<semaphore_mem>>
      %dma_wait3A_218 = tpu.memref_squeeze %dma_wait3A_217 : memref<1x!tpu.dma_semaphore, #tpu.memory_space<semaphore_mem>> -> memref<!tpu.dma_semaphore, #tpu.memory_space<semaphore_mem>>
      %dma_wait3A_219 = arith.constant 0 : i32
      %dma_wait3A_220 = arith.constant 0 : i32
      %dma_wait3A_221 = tpu.memref_slice %arg9[%rem3A_205, %dma_wait3A_219, %dma_wait3A_220] : memref<4x40x128xf32, #tpu.memory_space<vmem>> -> memref<1x40x128xf32, #tpu.memory_space<vmem>>
      %dma_wait3A_222 = tpu.memref_squeeze %dma_wait3A_221 : memref<1x40x128xf32, #tpu.memory_space<vmem>> -> memref<40x128xf32, #tpu.memory_space<vmem>>
      %dma_wait3A_223 = arith.constant 0 : i32
      %dma_wait3A_224 = arith.constant 0 : i32
      %dma_wait3A_225 = tpu.memref_slice %arg2[%dma_wait3A_223, %dma_wait3A_224] : memref<10000x128xf32, #tpu.memory_space<hbm>> -> memref<40x128xf32, #tpu.memory_space<hbm>>
      tpu.wait_dma2 semaphore(%dma_wait3A_218 : memref<!tpu.dma_semaphore, #tpu.memory_space<semaphore_mem>>) src(%dma_wait3A_225 : memref<40x128xf32, #tpu.memory_space<hbm>>) dst(%dma_wait3A_222 : memref<40x128xf32, #tpu.memory_space<vmem>>)
      %dma_wait3A_226 = arith.constant 0 : i32
      %dma_wait3A_227 = arith.constant 0 : i32
      %dma_wait3A_228 = tpu.memref_slice %arg10[%rem3A_205, %dma_wait3A_226, %dma_wait3A_227] : memref<4x40x128xf32, #tpu.memory_space<vmem>> -> memref<1x40x128xf32, #tpu.memory_space<vmem>>
      %dma_wait3A_229 = tpu.memref_squeeze %dma_wait3A_228 : memref<1x40x128xf32, #tpu.memory_space<vmem>> -> memref<40x128xf32, #tpu.memory_space<vmem>>
      %dma_wait3A_230 = arith.constant 0 : i32
      %dma_wait3A_231 = arith.constant 0 : i32
      %dma_wait3A_232 = tpu.memref_slice %arg2[%dma_wait3A_230, %dma_wait3A_231] : memref<10000x128xf32, #tpu.memory_space<hbm>> -> memref<40x128xf32, #tpu.memory_space<hbm>>
      %dma_wait3A_233 = tpu.memref_slice %arg11[%rem3A_205] : memref<4x!tpu.dma_semaphore, #tpu.memory_space<semaphore_mem>> -> memref<1x!tpu.dma_semaphore, #tpu.memory_space<semaphore_mem>>
      %dma_wait3A_234 = tpu.memref_squeeze %dma_wait3A_233 : memref<1x!tpu.dma_semaphore, #tpu.memory_space<semaphore_mem>> -> memref<!tpu.dma_semaphore, #tpu.memory_space<semaphore_mem>>
      %dma_wait3A_235 = arith.constant 0 : i32
      %dma_wait3A_236 = arith.constant 0 : i32
      %dma_wait3A_237 = tpu.memref_slice %arg10[%rem3A_205, %dma_wait3A_235, %dma_wait3A_236] : memref<4x40x128xf32, #tpu.memory_space<vmem>> -> memref<1x40x128xf32, #tpu.memory_space<vmem>>
      %dma_wait3A_238 = tpu.memref_squeeze %dma_wait3A_237 : memref<1x40x128xf32, #tpu.memory_space<vmem>> -> memref<40x128xf32, #tpu.memory_space<vmem>>
      %dma_wait3A_239 = arith.constant 0 : i32
      %dma_wait3A_240 = arith.constant 0 : i32
      %dma_wait3A_241 = tpu.memref_slice %arg2[%dma_wait3A_239, %dma_wait3A_240] : memref<10000x128xf32, #tpu.memory_space<hbm>> -> memref<40x128xf32, #tpu.memory_space<hbm>>
      tpu.wait_dma2 semaphore(%dma_wait3A_234 : memref<!tpu.dma_semaphore, #tpu.memory_space<semaphore_mem>>) src(%dma_wait3A_241 : memref<40x128xf32, #tpu.memory_space<hbm>>) dst(%dma_wait3A_238 : memref<40x128xf32, #tpu.memory_space<vmem>>)
      %mul3A_242 = arith.constant 40 : i32
      %mul3A_243 = arith.muli %scan3A_204, %mul3A_242 : i32
      %add3A_244 = arith.addi %mul3A_2, %mul3A_243 : i32
      %dma_start3A_245 = arith.constant 0 : i32
      %dma_start3A_246 = arith.constant 0 : i32
      %dma_start3A_247 = tpu.memref_slice %arg9[%rem3A_205, %dma_start3A_245, %dma_start3A_246] : memref<4x40x128xf32, #tpu.memory_space<vmem>> -> memref<1x40x128xf32, #tpu.memory_space<vmem>>
      %dma_start3A_248 = tpu.memref_squeeze %dma_start3A_247 : memref<1x40x128xf32, #tpu.memory_space<vmem>> -> memref<40x128xf32, #tpu.memory_space<vmem>>
      %dma_start3A_249 = arith.constant 0 : i32
      %dma_start3A_250 = tpu.memref_slice %arg5[%add3A_244, %dma_start3A_249] : memref<160000x128xf32, #tpu.memory_space<hbm>> -> memref<40x128xf32, #tpu.memory_space<hbm>>
      %dma_start3A_251 = tpu.memref_slice %arg12[%rem3A_205] : memref<4x!tpu.dma_semaphore, #tpu.memory_space<semaphore_mem>> -> memref<1x!tpu.dma_semaphore, #tpu.memory_space<semaphore_mem>>
      %dma_start3A_252 = tpu.memref_squeeze %dma_start3A_251 : memref<1x!tpu.dma_semaphore, #tpu.memory_space<semaphore_mem>> -> memref<!tpu.dma_semaphore, #tpu.memory_space<semaphore_mem>>
      %dma_start3A_253 = arith.constant 0 : i32
      %dma_start3A_254 = tpu.memref_slice %arg5[%add3A_244, %dma_start3A_253] : memref<160000x128xf32, #tpu.memory_space<hbm>> -> memref<40x128xf32, #tpu.memory_space<hbm>>
      %dma_start3A_255 = arith.constant 0 : i32
      %dma_start3A_256 = arith.constant 0 : i32
      %dma_start3A_257 = tpu.memref_slice %arg9[%rem3A_205, %dma_start3A_255, %dma_start3A_256] : memref<4x40x128xf32, #tpu.memory_space<vmem>> -> memref<1x40x128xf32, #tpu.memory_space<vmem>>
      %dma_start3A_258 = tpu.memref_squeeze %dma_start3A_257 : memref<1x40x128xf32, #tpu.memory_space<vmem>> -> memref<40x128xf32, #tpu.memory_space<vmem>>
      tpu.enqueue_dma source(%dma_start3A_258 : memref<40x128xf32, #tpu.memory_space<vmem>>) target(%dma_start3A_254 : memref<40x128xf32, #tpu.memory_space<hbm>>) target_semaphore(%dma_start3A_252 : memref<!tpu.dma_semaphore, #tpu.memory_space<semaphore_mem>>)
      %dma_start3A_259 = arith.constant 0 : i32
      %dma_start3A_260 = arith.constant 0 : i32
      %dma_start3A_261 = tpu.memref_slice %arg10[%rem3A_205, %dma_start3A_259, %dma_start3A_260] : memref<4x40x128xf32, #tpu.memory_space<vmem>> -> memref<1x40x128xf32, #tpu.memory_space<vmem>>
      %dma_start3A_262 = tpu.memref_squeeze %dma_start3A_261 : memref<1x40x128xf32, #tpu.memory_space<vmem>> -> memref<40x128xf32, #tpu.memory_space<vmem>>
      %dma_start3A_263 = arith.constant 0 : i32
      %dma_start3A_264 = tpu.memref_slice %arg6[%add3A_244, %dma_start3A_263] : memref<160000x128xf32, #tpu.memory_space<hbm>> -> memref<40x128xf32, #tpu.memory_space<hbm>>
      %dma_start3A_265 = tpu.memref_slice %arg12[%rem3A_205] : memref<4x!tpu.dma_semaphore, #tpu.memory_space<semaphore_mem>> -> memref<1x!tpu.dma_semaphore, #tpu.memory_space<semaphore_mem>>
      %dma_start3A_266 = tpu.memref_squeeze %dma_start3A_265 : memref<1x!tpu.dma_semaphore, #tpu.memory_space<semaphore_mem>> -> memref<!tpu.dma_semaphore, #tpu.memory_space<semaphore_mem>>
      %dma_start3A_267 = arith.constant 0 : i32
      %dma_start3A_268 = tpu.memref_slice %arg6[%add3A_244, %dma_start3A_267] : memref<160000x128xf32, #tpu.memory_space<hbm>> -> memref<40x128xf32, #tpu.memory_space<hbm>>
      %dma_start3A_269 = arith.constant 0 : i32
      %dma_start3A_270 = arith.constant 0 : i32
      %dma_start3A_271 = tpu.memref_slice %arg10[%rem3A_205, %dma_start3A_269, %dma_start3A_270] : memref<4x40x128xf32, #tpu.memory_space<vmem>> -> memref<1x40x128xf32, #tpu.memory_space<vmem>>
      %dma_start3A_272 = tpu.memref_squeeze %dma_start3A_271 : memref<1x40x128xf32, #tpu.memory_space<vmem>> -> memref<40x128xf32, #tpu.memory_space<vmem>>
      tpu.enqueue_dma source(%dma_start3A_272 : memref<40x128xf32, #tpu.memory_space<vmem>>) target(%dma_start3A_268 : memref<40x128xf32, #tpu.memory_space<hbm>>) target_semaphore(%dma_start3A_266 : memref<!tpu.dma_semaphore, #tpu.memory_space<semaphore_mem>>)
    }
    %scan3A_60 = arith.constant 125 : i32
    %dma_wait3A = arith.constant 0 : i32
    %dma_wait3A_61 = arith.constant 0 : i32
    %dma_wait3A_62 = arith.constant 0 : i32
    %dma_wait3A_63 = arith.constant 0 : i32
    %dma_wait3A_64 = tpu.memref_slice %arg9[%dma_wait3A, %dma_wait3A_62, %dma_wait3A_63] : memref<4x40x128xf32, #tpu.memory_space<vmem>> -> memref<1x40x128xf32, #tpu.memory_space<vmem>>
    %dma_wait3A_65 = tpu.memref_squeeze %dma_wait3A_64 : memref<1x40x128xf32, #tpu.memory_space<vmem>> -> memref<40x128xf32, #tpu.memory_space<vmem>>
    %dma_wait3A_66 = arith.constant 0 : i32
    %dma_wait3A_67 = arith.constant 0 : i32
    %dma_wait3A_68 = tpu.memref_slice %arg5[%dma_wait3A_66, %dma_wait3A_67] : memref<160000x128xf32, #tpu.memory_space<hbm>> -> memref<40x128xf32, #tpu.memory_space<hbm>>
    %dma_wait3A_69 = tpu.memref_slice %arg12[%dma_wait3A_61] : memref<4x!tpu.dma_semaphore, #tpu.memory_space<semaphore_mem>> -> memref<1x!tpu.dma_semaphore, #tpu.memory_space<semaphore_mem>>
    %dma_wait3A_70 = tpu.memref_squeeze %dma_wait3A_69 : memref<1x!tpu.dma_semaphore, #tpu.memory_space<semaphore_mem>> -> memref<!tpu.dma_semaphore, #tpu.memory_space<semaphore_mem>>
    %dma_wait3A_71 = arith.constant 0 : i32
    %dma_wait3A_72 = arith.constant 0 : i32
    %dma_wait3A_73 = tpu.memref_slice %arg5[%dma_wait3A_71, %dma_wait3A_72] : memref<160000x128xf32, #tpu.memory_space<hbm>> -> memref<40x128xf32, #tpu.memory_space<hbm>>
    %dma_wait3A_74 = arith.constant 0 : i32
    %dma_wait3A_75 = arith.constant 0 : i32
    %dma_wait3A_76 = tpu.memref_slice %arg9[%dma_wait3A, %dma_wait3A_74, %dma_wait3A_75] : memref<4x40x128xf32, #tpu.memory_space<vmem>> -> memref<1x40x128xf32, #tpu.memory_space<vmem>>
    %dma_wait3A_77 = tpu.memref_squeeze %dma_wait3A_76 : memref<1x40x128xf32, #tpu.memory_space<vmem>> -> memref<40x128xf32, #tpu.memory_space<vmem>>
    tpu.wait_dma2 semaphore(%dma_wait3A_70 : memref<!tpu.dma_semaphore, #tpu.memory_space<semaphore_mem>>) src(%dma_wait3A_77 : memref<40x128xf32, #tpu.memory_space<vmem>>) dst(%dma_wait3A_73 : memref<40x128xf32, #tpu.memory_space<hbm>>)
    %dma_wait3A_78 = arith.constant 0 : i32
    %dma_wait3A_79 = arith.constant 0 : i32
    %dma_wait3A_80 = arith.constant 0 : i32
    %dma_wait3A_81 = arith.constant 0 : i32
    %dma_wait3A_82 = tpu.memref_slice %arg10[%dma_wait3A_78, %dma_wait3A_80, %dma_wait3A_81] : memref<4x40x128xf32, #tpu.memory_space<vmem>> -> memref<1x40x128xf32, #tpu.memory_space<vmem>>
    %dma_wait3A_83 = tpu.memref_squeeze %dma_wait3A_82 : memref<1x40x128xf32, #tpu.memory_space<vmem>> -> memref<40x128xf32, #tpu.memory_space<vmem>>
    %dma_wait3A_84 = arith.constant 0 : i32
    %dma_wait3A_85 = arith.constant 0 : i32
    %dma_wait3A_86 = tpu.memref_slice %arg6[%dma_wait3A_84, %dma_wait3A_85] : memref<160000x128xf32, #tpu.memory_space<hbm>> -> memref<40x128xf32, #tpu.memory_space<hbm>>
    %dma_wait3A_87 = tpu.memref_slice %arg12[%dma_wait3A_79] : memref<4x!tpu.dma_semaphore, #tpu.memory_space<semaphore_mem>> -> memref<1x!tpu.dma_semaphore, #tpu.memory_space<semaphore_mem>>
    %dma_wait3A_88 = tpu.memref_squeeze %dma_wait3A_87 : memref<1x!tpu.dma_semaphore, #tpu.memory_space<semaphore_mem>> -> memref<!tpu.dma_semaphore, #tpu.memory_space<semaphore_mem>>
    %dma_wait3A_89 = arith.constant 0 : i32
    %dma_wait3A_90 = arith.constant 0 : i32
    %dma_wait3A_91 = tpu.memref_slice %arg6[%dma_wait3A_89, %dma_wait3A_90] : memref<160000x128xf32, #tpu.memory_space<hbm>> -> memref<40x128xf32, #tpu.memory_space<hbm>>
    %dma_wait3A_92 = arith.constant 0 : i32
    %dma_wait3A_93 = arith.constant 0 : i32
    %dma_wait3A_94 = tpu.memref_slice %arg10[%dma_wait3A_78, %dma_wait3A_92, %dma_wait3A_93] : memref<4x40x128xf32, #tpu.memory_space<vmem>> -> memref<1x40x128xf32, #tpu.memory_space<vmem>>
    %dma_wait3A_95 = tpu.memref_squeeze %dma_wait3A_94 : memref<1x40x128xf32, #tpu.memory_space<vmem>> -> memref<40x128xf32, #tpu.memory_space<vmem>>
    tpu.wait_dma2 semaphore(%dma_wait3A_88 : memref<!tpu.dma_semaphore, #tpu.memory_space<semaphore_mem>>) src(%dma_wait3A_95 : memref<40x128xf32, #tpu.memory_space<vmem>>) dst(%dma_wait3A_91 : memref<40x128xf32, #tpu.memory_space<hbm>>)
    %dma_wait3A_96 = arith.constant 1 : i32
    %dma_wait3A_97 = arith.constant 1 : i32
    %dma_wait3A_98 = arith.constant 0 : i32
    %dma_wait3A_99 = arith.constant 0 : i32
    %dma_wait3A_100 = tpu.memref_slice %arg9[%dma_wait3A_96, %dma_wait3A_98, %dma_wait3A_99] : memref<4x40x128xf32, #tpu.memory_space<vmem>> -> memref<1x40x128xf32, #tpu.memory_space<vmem>>
    %dma_wait3A_101 = tpu.memref_squeeze %dma_wait3A_100 : memref<1x40x128xf32, #tpu.memory_space<vmem>> -> memref<40x128xf32, #tpu.memory_space<vmem>>
    %dma_wait3A_102 = arith.constant 0 : i32
    %dma_wait3A_103 = arith.constant 0 : i32
    %dma_wait3A_104 = tpu.memref_slice %arg5[%dma_wait3A_102, %dma_wait3A_103] : memref<160000x128xf32, #tpu.memory_space<hbm>> -> memref<40x128xf32, #tpu.memory_space<hbm>>
    %dma_wait3A_105 = tpu.memref_slice %arg12[%dma_wait3A_97] : memref<4x!tpu.dma_semaphore, #tpu.memory_space<semaphore_mem>> -> memref<1x!tpu.dma_semaphore, #tpu.memory_space<semaphore_mem>>
    %dma_wait3A_106 = tpu.memref_squeeze %dma_wait3A_105 : memref<1x!tpu.dma_semaphore, #tpu.memory_space<semaphore_mem>> -> memref<!tpu.dma_semaphore, #tpu.memory_space<semaphore_mem>>
    %dma_wait3A_107 = arith.constant 0 : i32
    %dma_wait3A_108 = arith.constant 0 : i32
    %dma_wait3A_109 = tpu.memref_slice %arg5[%dma_wait3A_107, %dma_wait3A_108] : memref<160000x128xf32, #tpu.memory_space<hbm>> -> memref<40x128xf32, #tpu.memory_space<hbm>>
    %dma_wait3A_110 = arith.constant 0 : i32
    %dma_wait3A_111 = arith.constant 0 : i32
    %dma_wait3A_112 = tpu.memref_slice %arg9[%dma_wait3A_96, %dma_wait3A_110, %dma_wait3A_111] : memref<4x40x128xf32, #tpu.memory_space<vmem>> -> memref<1x40x128xf32, #tpu.memory_space<vmem>>
    %dma_wait3A_113 = tpu.memref_squeeze %dma_wait3A_112 : memref<1x40x128xf32, #tpu.memory_space<vmem>> -> memref<40x128xf32, #tpu.memory_space<vmem>>
    tpu.wait_dma2 semaphore(%dma_wait3A_106 : memref<!tpu.dma_semaphore, #tpu.memory_space<semaphore_mem>>) src(%dma_wait3A_113 : memref<40x128xf32, #tpu.memory_space<vmem>>) dst(%dma_wait3A_109 : memref<40x128xf32, #tpu.memory_space<hbm>>)
    %dma_wait3A_114 = arith.constant 1 : i32
    %dma_wait3A_115 = arith.constant 1 : i32
    %dma_wait3A_116 = arith.constant 0 : i32
    %dma_wait3A_117 = arith.constant 0 : i32
    %dma_wait3A_118 = tpu.memref_slice %arg10[%dma_wait3A_114, %dma_wait3A_116, %dma_wait3A_117] : memref<4x40x128xf32, #tpu.memory_space<vmem>> -> memref<1x40x128xf32, #tpu.memory_space<vmem>>
    %dma_wait3A_119 = tpu.memref_squeeze %dma_wait3A_118 : memref<1x40x128xf32, #tpu.memory_space<vmem>> -> memref<40x128xf32, #tpu.memory_space<vmem>>
    %dma_wait3A_120 = arith.constant 0 : i32
    %dma_wait3A_121 = arith.constant 0 : i32
    %dma_wait3A_122 = tpu.memref_slice %arg6[%dma_wait3A_120, %dma_wait3A_121] : memref<160000x128xf32, #tpu.memory_space<hbm>> -> memref<40x128xf32, #tpu.memory_space<hbm>>
    %dma_wait3A_123 = tpu.memref_slice %arg12[%dma_wait3A_115] : memref<4x!tpu.dma_semaphore, #tpu.memory_space<semaphore_mem>> -> memref<1x!tpu.dma_semaphore, #tpu.memory_space<semaphore_mem>>
    %dma_wait3A_124 = tpu.memref_squeeze %dma_wait3A_123 : memref<1x!tpu.dma_semaphore, #tpu.memory_space<semaphore_mem>> -> memref<!tpu.dma_semaphore, #tpu.memory_space<semaphore_mem>>
    %dma_wait3A_125 = arith.constant 0 : i32
    %dma_wait3A_126 = arith.constant 0 : i32
    %dma_wait3A_127 = tpu.memref_slice %arg6[%dma_wait3A_125, %dma_wait3A_126] : memref<160000x128xf32, #tpu.memory_space<hbm>> -> memref<40x128xf32, #tpu.memory_space<hbm>>
    %dma_wait3A_128 = arith.constant 0 : i32
    %dma_wait3A_129 = arith.constant 0 : i32
    %dma_wait3A_130 = tpu.memref_slice %arg10[%dma_wait3A_114, %dma_wait3A_128, %dma_wait3A_129] : memref<4x40x128xf32, #tpu.memory_space<vmem>> -> memref<1x40x128xf32, #tpu.memory_space<vmem>>
    %dma_wait3A_131 = tpu.memref_squeeze %dma_wait3A_130 : memref<1x40x128xf32, #tpu.memory_space<vmem>> -> memref<40x128xf32, #tpu.memory_space<vmem>>
    tpu.wait_dma2 semaphore(%dma_wait3A_124 : memref<!tpu.dma_semaphore, #tpu.memory_space<semaphore_mem>>) src(%dma_wait3A_131 : memref<40x128xf32, #tpu.memory_space<vmem>>) dst(%dma_wait3A_127 : memref<40x128xf32, #tpu.memory_space<hbm>>)
    %dma_wait3A_132 = arith.constant 2 : i32
    %dma_wait3A_133 = arith.constant 2 : i32
    %dma_wait3A_134 = arith.constant 0 : i32
    %dma_wait3A_135 = arith.constant 0 : i32
    %dma_wait3A_136 = tpu.memref_slice %arg9[%dma_wait3A_132, %dma_wait3A_134, %dma_wait3A_135] : memref<4x40x128xf32, #tpu.memory_space<vmem>> -> memref<1x40x128xf32, #tpu.memory_space<vmem>>
    %dma_wait3A_137 = tpu.memref_squeeze %dma_wait3A_136 : memref<1x40x128xf32, #tpu.memory_space<vmem>> -> memref<40x128xf32, #tpu.memory_space<vmem>>
    %dma_wait3A_138 = arith.constant 0 : i32
    %dma_wait3A_139 = arith.constant 0 : i32
    %dma_wait3A_140 = tpu.memref_slice %arg5[%dma_wait3A_138, %dma_wait3A_139] : memref<160000x128xf32, #tpu.memory_space<hbm>> -> memref<40x128xf32, #tpu.memory_space<hbm>>
    %dma_wait3A_141 = tpu.memref_slice %arg12[%dma_wait3A_133] : memref<4x!tpu.dma_semaphore, #tpu.memory_space<semaphore_mem>> -> memref<1x!tpu.dma_semaphore, #tpu.memory_space<semaphore_mem>>
    %dma_wait3A_142 = tpu.memref_squeeze %dma_wait3A_141 : memref<1x!tpu.dma_semaphore, #tpu.memory_space<semaphore_mem>> -> memref<!tpu.dma_semaphore, #tpu.memory_space<semaphore_mem>>
    %dma_wait3A_143 = arith.constant 0 : i32
    %dma_wait3A_144 = arith.constant 0 : i32
    %dma_wait3A_145 = tpu.memref_slice %arg5[%dma_wait3A_143, %dma_wait3A_144] : memref<160000x128xf32, #tpu.memory_space<hbm>> -> memref<40x128xf32, #tpu.memory_space<hbm>>
    %dma_wait3A_146 = arith.constant 0 : i32
    %dma_wait3A_147 = arith.constant 0 : i32
    %dma_wait3A_148 = tpu.memref_slice %arg9[%dma_wait3A_132, %dma_wait3A_146, %dma_wait3A_147] : memref<4x40x128xf32, #tpu.memory_space<vmem>> -> memref<1x40x128xf32, #tpu.memory_space<vmem>>
    %dma_wait3A_149 = tpu.memref_squeeze %dma_wait3A_148 : memref<1x40x128xf32, #tpu.memory_space<vmem>> -> memref<40x128xf32, #tpu.memory_space<vmem>>
    tpu.wait_dma2 semaphore(%dma_wait3A_142 : memref<!tpu.dma_semaphore, #tpu.memory_space<semaphore_mem>>) src(%dma_wait3A_149 : memref<40x128xf32, #tpu.memory_space<vmem>>) dst(%dma_wait3A_145 : memref<40x128xf32, #tpu.memory_space<hbm>>)
    %dma_wait3A_150 = arith.constant 2 : i32
    %dma_wait3A_151 = arith.constant 2 : i32
    %dma_wait3A_152 = arith.constant 0 : i32
    %dma_wait3A_153 = arith.constant 0 : i32
    %dma_wait3A_154 = tpu.memref_slice %arg10[%dma_wait3A_150, %dma_wait3A_152, %dma_wait3A_153] : memref<4x40x128xf32, #tpu.memory_space<vmem>> -> memref<1x40x128xf32, #tpu.memory_space<vmem>>
    %dma_wait3A_155 = tpu.memref_squeeze %dma_wait3A_154 : memref<1x40x128xf32, #tpu.memory_space<vmem>> -> memref<40x128xf32, #tpu.memory_space<vmem>>
    %dma_wait3A_156 = arith.constant 0 : i32
    %dma_wait3A_157 = arith.constant 0 : i32
    %dma_wait3A_158 = tpu.memref_slice %arg6[%dma_wait3A_156, %dma_wait3A_157] : memref<160000x128xf32, #tpu.memory_space<hbm>> -> memref<40x128xf32, #tpu.memory_space<hbm>>
    %dma_wait3A_159 = tpu.memref_slice %arg12[%dma_wait3A_151] : memref<4x!tpu.dma_semaphore, #tpu.memory_space<semaphore_mem>> -> memref<1x!tpu.dma_semaphore, #tpu.memory_space<semaphore_mem>>
    %dma_wait3A_160 = tpu.memref_squeeze %dma_wait3A_159 : memref<1x!tpu.dma_semaphore, #tpu.memory_space<semaphore_mem>> -> memref<!tpu.dma_semaphore, #tpu.memory_space<semaphore_mem>>
    %dma_wait3A_161 = arith.constant 0 : i32
    %dma_wait3A_162 = arith.constant 0 : i32
    %dma_wait3A_163 = tpu.memref_slice %arg6[%dma_wait3A_161, %dma_wait3A_162] : memref<160000x128xf32, #tpu.memory_space<hbm>> -> memref<40x128xf32, #tpu.memory_space<hbm>>
    %dma_wait3A_164 = arith.constant 0 : i32
    %dma_wait3A_165 = arith.constant 0 : i32
    %dma_wait3A_166 = tpu.memref_slice %arg10[%dma_wait3A_150, %dma_wait3A_164, %dma_wait3A_165] : memref<4x40x128xf32, #tpu.memory_space<vmem>> -> memref<1x40x128xf32, #tpu.memory_space<vmem>>
    %dma_wait3A_167 = tpu.memref_squeeze %dma_wait3A_166 : memref<1x40x128xf32, #tpu.memory_space<vmem>> -> memref<40x128xf32, #tpu.memory_space<vmem>>
    tpu.wait_dma2 semaphore(%dma_wait3A_160 : memref<!tpu.dma_semaphore, #tpu.memory_space<semaphore_mem>>) src(%dma_wait3A_167 : memref<40x128xf32, #tpu.memory_space<vmem>>) dst(%dma_wait3A_163 : memref<40x128xf32, #tpu.memory_space<hbm>>)
    %dma_wait3A_168 = arith.constant 3 : i32
    %dma_wait3A_169 = arith.constant 3 : i32
    %dma_wait3A_170 = arith.constant 0 : i32
    %dma_wait3A_171 = arith.constant 0 : i32
    %dma_wait3A_172 = tpu.memref_slice %arg9[%dma_wait3A_168, %dma_wait3A_170, %dma_wait3A_171] : memref<4x40x128xf32, #tpu.memory_space<vmem>> -> memref<1x40x128xf32, #tpu.memory_space<vmem>>
    %dma_wait3A_173 = tpu.memref_squeeze %dma_wait3A_172 : memref<1x40x128xf32, #tpu.memory_space<vmem>> -> memref<40x128xf32, #tpu.memory_space<vmem>>
    %dma_wait3A_174 = arith.constant 0 : i32
    %dma_wait3A_175 = arith.constant 0 : i32
    %dma_wait3A_176 = tpu.memref_slice %arg5[%dma_wait3A_174, %dma_wait3A_175] : memref<160000x128xf32, #tpu.memory_space<hbm>> -> memref<40x128xf32, #tpu.memory_space<hbm>>
    %dma_wait3A_177 = tpu.memref_slice %arg12[%dma_wait3A_169] : memref<4x!tpu.dma_semaphore, #tpu.memory_space<semaphore_mem>> -> memref<1x!tpu.dma_semaphore, #tpu.memory_space<semaphore_mem>>
    %dma_wait3A_178 = tpu.memref_squeeze %dma_wait3A_177 : memref<1x!tpu.dma_semaphore, #tpu.memory_space<semaphore_mem>> -> memref<!tpu.dma_semaphore, #tpu.memory_space<semaphore_mem>>
    %dma_wait3A_179 = arith.constant 0 : i32
    %dma_wait3A_180 = arith.constant 0 : i32
    %dma_wait3A_181 = tpu.memref_slice %arg5[%dma_wait3A_179, %dma_wait3A_180] : memref<160000x128xf32, #tpu.memory_space<hbm>> -> memref<40x128xf32, #tpu.memory_space<hbm>>
    %dma_wait3A_182 = arith.constant 0 : i32
    %dma_wait3A_183 = arith.constant 0 : i32
    %dma_wait3A_184 = tpu.memref_slice %arg9[%dma_wait3A_168, %dma_wait3A_182, %dma_wait3A_183] : memref<4x40x128xf32, #tpu.memory_space<vmem>> -> memref<1x40x128xf32, #tpu.memory_space<vmem>>
    %dma_wait3A_185 = tpu.memref_squeeze %dma_wait3A_184 : memref<1x40x128xf32, #tpu.memory_space<vmem>> -> memref<40x128xf32, #tpu.memory_space<vmem>>
    tpu.wait_dma2 semaphore(%dma_wait3A_178 : memref<!tpu.dma_semaphore, #tpu.memory_space<semaphore_mem>>) src(%dma_wait3A_185 : memref<40x128xf32, #tpu.memory_space<vmem>>) dst(%dma_wait3A_181 : memref<40x128xf32, #tpu.memory_space<hbm>>)
    %dma_wait3A_186 = arith.constant 3 : i32
    %dma_wait3A_187 = arith.constant 3 : i32
    %dma_wait3A_188 = arith.constant 0 : i32
    %dma_wait3A_189 = arith.constant 0 : i32
    %dma_wait3A_190 = tpu.memref_slice %arg10[%dma_wait3A_186, %dma_wait3A_188, %dma_wait3A_189] : memref<4x40x128xf32, #tpu.memory_space<vmem>> -> memref<1x40x128xf32, #tpu.memory_space<vmem>>
    %dma_wait3A_191 = tpu.memref_squeeze %dma_wait3A_190 : memref<1x40x128xf32, #tpu.memory_space<vmem>> -> memref<40x128xf32, #tpu.memory_space<vmem>>
    %dma_wait3A_192 = arith.constant 0 : i32
    %dma_wait3A_193 = arith.constant 0 : i32
    %dma_wait3A_194 = tpu.memref_slice %arg6[%dma_wait3A_192, %dma_wait3A_193] : memref<160000x128xf32, #tpu.memory_space<hbm>> -> memref<40x128xf32, #tpu.memory_space<hbm>>
    %dma_wait3A_195 = tpu.memref_slice %arg12[%dma_wait3A_187] : memref<4x!tpu.dma_semaphore, #tpu.memory_space<semaphore_mem>> -> memref<1x!tpu.dma_semaphore, #tpu.memory_space<semaphore_mem>>
    %dma_wait3A_196 = tpu.memref_squeeze %dma_wait3A_195 : memref<1x!tpu.dma_semaphore, #tpu.memory_space<semaphore_mem>> -> memref<!tpu.dma_semaphore, #tpu.memory_space<semaphore_mem>>
    %dma_wait3A_197 = arith.constant 0 : i32
    %dma_wait3A_198 = arith.constant 0 : i32
    %dma_wait3A_199 = tpu.memref_slice %arg6[%dma_wait3A_197, %dma_wait3A_198] : memref<160000x128xf32, #tpu.memory_space<hbm>> -> memref<40x128xf32, #tpu.memory_space<hbm>>
    %dma_wait3A_200 = arith.constant 0 : i32
    %dma_wait3A_201 = arith.constant 0 : i32
    %dma_wait3A_202 = tpu.memref_slice %arg10[%dma_wait3A_186, %dma_wait3A_200, %dma_wait3A_201] : memref<4x40x128xf32, #tpu.memory_space<vmem>> -> memref<1x40x128xf32, #tpu.memory_space<vmem>>
    %dma_wait3A_203 = tpu.memref_squeeze %dma_wait3A_202 : memref<1x40x128xf32, #tpu.memory_space<vmem>> -> memref<40x128xf32, #tpu.memory_space<vmem>>
    tpu.wait_dma2 semaphore(%dma_wait3A_196 : memref<!tpu.dma_semaphore, #tpu.memory_space<semaphore_mem>>) src(%dma_wait3A_203 : memref<40x128xf32, #tpu.memory_space<vmem>>) dst(%dma_wait3A_199 : memref<40x128xf32, #tpu.memory_space<hbm>>)
    return
  }
}

module attributes {stable_mosaic.version = 14 : i64} {
  func.func @_prep_body(%arg0: memref<10000x128xf32, #tpu.memory_space<vmem>>, %arg1: memref<128x128xf32, #tpu.memory_space<vmem>>, %arg2: memref<2x320000xi32, #tpu.memory_space<vmem>>, %arg3: memref<10000x128xf32, #tpu.memory_space<vmem>>, %arg4: memref<320000xi32, #tpu.memory_space<vmem>>, %arg5: memref<320000xi32, #tpu.memory_space<vmem>>) attributes {dimension_semantics = [], scalar_prefetch = 0 : i64, scratch_operands = 0 : i64, tpu.core_type = #tpu.core_type<tc>} {
    %get3A = arith.constant 0 : index
    %get3A_0 = arith.constant 0 : index
    %get3A_1 = vector.load %arg0[%get3A, %get3A_0] : memref<10000x128xf32, #tpu.memory_space<vmem>>, vector<10000x128xf32>
    %get3A_2 = arith.constant 0 : index
    %get3A_3 = arith.constant 0 : index
    %get3A_4 = vector.load %arg1[%get3A_2, %get3A_3] : memref<128x128xf32, #tpu.memory_space<vmem>>, vector<128x128xf32>
    %dot_general3A = arith.constant dense<0.000000e+00> : vector<10000x128xf32>
    %dot_general3A_5 = tpu.matmul %get3A_1, %get3A_4, %dot_general3A {dimension_numbers = #tpu.dot_dimension_numbers<[1], [0], [0], [1], [0, 0, 1, 1], [], []>, precision = #tpu.contract_precision<fp32>, transpose_lhs_hint = false} : vector<10000x128xf32>, vector<128x128xf32>, vector<10000x128xf32> -> vector<10000x128xf32>
    %swap3A = arith.constant 0 : index
    %swap3A_6 = arith.constant 0 : index
    %swap3A_7 = vector.load %arg3[%swap3A, %swap3A_6] : memref<10000x128xf32, #tpu.memory_space<vmem>>, vector<10000x128xf32>
    tpu.vector_store %arg3[%swap3A, %swap3A_6], %dot_general3A_5 {strides = array<i32>} : memref<10000x128xf32, #tpu.memory_space<vmem>>, vector<10000x128xf32>,
    %get3A_8 = arith.constant 0 : index
    %get3A_9 = arith.constant 0 : index
    %get3A_10 = vector.load %arg2[%get3A_8, %get3A_9] : memref<2x320000xi32, #tpu.memory_space<vmem>>, vector<1x320000xi32>
    %get3A_11 = vector.shape_cast %get3A_10 : vector<1x320000xi32> to vector<320000xi32>
    %reduce_min3A = vector.shape_cast %get3A_11 : vector<320000xi32> to vector<1x320000xi32>
    %reduce_min3A_12 = arith.constant dense<2147483647> : vector<1xi32>
    %reduce_min3A_13 = vector.multi_reduction <minsi>, %reduce_min3A, %reduce_min3A_12 [1] : vector<1x320000xi32> to vector<1xi32>
    %reduce_min3A_14 = vector.shape_cast %reduce_min3A_13 : vector<1xi32> to vector<1x1xi32>
    %reduce_min3A_15 = vector.extract %reduce_min3A_14[0, 0] : i32 from vector<1x1xi32>
    %get3A_16 = arith.constant 0 : index
    %get3A_17 = arith.constant 0 : index
    %get3A_18 = vector.load %arg2[%get3A_16, %get3A_17] : memref<2x320000xi32, #tpu.memory_space<vmem>>, vector<1x320000xi32>
    %get3A_19 = vector.shape_cast %get3A_18 : vector<1x320000xi32> to vector<320000xi32>
    %sub3A = vector.broadcast %reduce_min3A_15 : i32 to vector<320000xi32>
    %sub3A_20 = arith.subi %get3A_19, %sub3A : vector<320000xi32>
    %jit3A = arith.constant 0 : i32
    %jit3A_21 = arith.constant 9999 : i32
    %max3A = vector.broadcast %jit3A : i32 to vector<320000xi32>
    %max3A_22 = arith.maxsi %max3A, %sub3A_20 : vector<320000xi32>
    %min3A = vector.broadcast %jit3A_21 : i32 to vector<320000xi32>
    %min3A_23 = arith.minsi %min3A, %max3A_22 : vector<320000xi32>
    %swap3A_24 = arith.constant 0 : index
    %swap3A_25 = vector.load %arg4[%swap3A_24] : memref<320000xi32, #tpu.memory_space<vmem>>, vector<320000xi32>
    tpu.vector_store %arg4[%swap3A_24], %min3A_23 {strides = array<i32>} : memref<320000xi32, #tpu.memory_space<vmem>>, vector<320000xi32>,
    %get3A_26 = arith.constant 1 : index
    %get3A_27 = arith.constant 0 : index
    %get3A_28 = vector.load %arg2[%get3A_26, %get3A_27] : memref<2x320000xi32, #tpu.memory_space<vmem>>, vector<1x320000xi32>
    %get3A_29 = vector.shape_cast %get3A_28 : vector<1x320000xi32> to vector<320000xi32>
    %sub3A_30 = vector.broadcast %reduce_min3A_15 : i32 to vector<320000xi32>
    %sub3A_31 = arith.subi %get3A_29, %sub3A_30 : vector<320000xi32>
    %jit3A_32 = arith.constant 0 : i32
    %jit3A_33 = arith.constant 9999 : i32
    %max3A_34 = vector.broadcast %jit3A_32 : i32 to vector<320000xi32>
    %max3A_35 = arith.maxsi %max3A_34, %sub3A_31 : vector<320000xi32>
    %min3A_36 = vector.broadcast %jit3A_33 : i32 to vector<320000xi32>
    %min3A_37 = arith.minsi %min3A_36, %max3A_35 : vector<320000xi32>
    %swap3A_38 = arith.constant 0 : index
    %swap3A_39 = vector.load %arg5[%swap3A_38] : memref<320000xi32, #tpu.memory_space<vmem>>, vector<320000xi32>
    tpu.vector_store %arg5[%swap3A_38], %min3A_37 {strides = array<i32>} : memref<320000xi32, #tpu.memory_space<vmem>>, vector<320000xi32>,
    return
  }
}

module attributes {stable_mosaic.version = 14 : i64} {
  func.func @_out_body(%arg0: i32, %arg1: memref<3200x128xf32, #tpu.memory_space<vmem>>, %arg2: memref<3200x128xf32, #tpu.memory_space<vmem>>, %arg3: memref<3200x16xf32, #tpu.memory_space<vmem>>, %arg4: memref<3200x4xf32, #tpu.memory_space<vmem>>, %arg5: memref<128x128xbf16, #tpu.memory_space<vmem>>, %arg6: memref<16x128xbf16, #tpu.memory_space<vmem>>, %arg7: memref<4x128xbf16, #tpu.memory_space<vmem>>, %arg8: memref<1x128xf32, #tpu.memory_space<vmem>>, %arg9: memref<3200x128xf32, #tpu.memory_space<vmem>>) attributes {dimension_semantics = [#tpu.dimension_semantics<arbitrary>], iteration_bounds = array<i64: 50>, scalar_prefetch = 0 : i64, scratch_operands = 0 : i64, tpu.core_type = #tpu.core_type<tc>, window_params = [{transform_indices = @transform_0, window_bounds = array<i64: 3200, 128>}, {transform_indices = @transform_1, window_bounds = array<i64: 3200, 128>}, {transform_indices = @transform_2, window_bounds = array<i64: 3200, 16>}, {transform_indices = @transform_3, window_bounds = array<i64: 3200, 4>}, {pipeline_mode = #tpu.pipeline_mode<synchronous>, transform_indices = @transform_4, window_bounds = array<i64: 128, 128>}, {pipeline_mode = #tpu.pipeline_mode<synchronous>, transform_indices = @transform_5, window_bounds = array<i64: 16, 128>}, {pipeline_mode = #tpu.pipeline_mode<synchronous>, transform_indices = @transform_6, window_bounds = array<i64: 4, 128>}, {pipeline_mode = #tpu.pipeline_mode<synchronous>, transform_indices = @transform_7, window_bounds = array<i64: 1, 128>}, {transform_indices = @transform_8, window_bounds = array<i64: 3200, 128>}]} {
    %get3A = arith.constant 0 : index
    %get3A_0 = arith.constant 0 : index
    %get3A_1 = vector.load %arg1[%get3A, %get3A_0] : memref<3200x128xf32, #tpu.memory_space<vmem>>, vector<3200x128xf32>
    %get3A_2 = arith.constant 0 : index
    %get3A_3 = arith.constant 0 : index
    %get3A_4 = vector.load %arg2[%get3A_2, %get3A_3] : memref<3200x128xf32, #tpu.memory_space<vmem>>, vector<3200x128xf32>
    %sub3A = arith.subf %get3A_1, %get3A_4 : vector<3200x128xf32>
    %max3A = arith.constant 0.000000e+00 : f32
    %max3A_5 = vector.broadcast %max3A : f32 to vector<3200x128xf32>
    %max3A_6 = arith.maximumf %sub3A, %max3A_5 : vector<3200x128xf32>
    %convert_element_type3A = arith.truncf %max3A_6 : vector<3200x128xf32> to vector<3200x128xbf16>
    %get3A_7 = arith.constant 0 : index
    %get3A_8 = arith.constant 0 : index
    %get3A_9 = vector.load %arg5[%get3A_7, %get3A_8] : memref<128x128xbf16, #tpu.memory_space<vmem>>, vector<128x128xbf16>
    %dot_general3A = arith.constant dense<0.000000e+00> : vector<3200x128xf32>
    %dot_general3A_10 = tpu.matmul %convert_element_type3A, %get3A_9, %dot_general3A {dimension_numbers = #tpu.dot_dimension_numbers<[1], [0], [0], [1], [0, 0, 1, 1], [], []>, transpose_lhs_hint = false} : vector<3200x128xbf16>, vector<128x128xbf16>, vector<3200x128xf32> -> vector<3200x128xf32>
    %get3A_11 = arith.constant 0 : index
    %get3A_12 = arith.constant 0 : index
    %get3A_13 = vector.load %arg3[%get3A_11, %get3A_12] : memref<3200x16xf32, #tpu.memory_space<vmem>>, vector<3200x16xf32>
    %convert_element_type3A_14 = arith.truncf %get3A_13 : vector<3200x16xf32> to vector<3200x16xbf16>
    %get3A_15 = arith.constant 0 : index
    %get3A_16 = arith.constant 0 : index
    %get3A_17 = vector.load %arg6[%get3A_15, %get3A_16] : memref<16x128xbf16, #tpu.memory_space<vmem>>, vector<16x128xbf16>
    %dot_general3A_18 = arith.constant dense<0.000000e+00> : vector<3200x128xf32>
    %dot_general3A_19 = tpu.matmul %convert_element_type3A_14, %get3A_17, %dot_general3A_18 {dimension_numbers = #tpu.dot_dimension_numbers<[1], [0], [0], [1], [0, 0, 1, 1], [], []>, transpose_lhs_hint = false} : vector<3200x16xbf16>, vector<16x128xbf16>, vector<3200x128xf32> -> vector<3200x128xf32>
    %add3A = arith.addf %dot_general3A_10, %dot_general3A_19 : vector<3200x128xf32>
    %get3A_20 = arith.constant 0 : index
    %get3A_21 = arith.constant 0 : index
    %get3A_22 = vector.load %arg4[%get3A_20, %get3A_21] : memref<3200x4xf32, #tpu.memory_space<vmem>>, vector<3200x4xf32>
    %convert_element_type3A_23 = arith.truncf %get3A_22 : vector<3200x4xf32> to vector<3200x4xbf16>
    %get3A_24 = arith.constant 0 : index
    %get3A_25 = arith.constant 0 : index
    %get3A_26 = vector.load %arg7[%get3A_24, %get3A_25] : memref<4x128xbf16, #tpu.memory_space<vmem>>, vector<4x128xbf16>
    %dot_general3A_27 = arith.constant dense<0.000000e+00> : vector<3200x128xf32>
    %dot_general3A_28 = tpu.matmul %convert_element_type3A_23, %get3A_26, %dot_general3A_27 {dimension_numbers = #tpu.dot_dimension_numbers<[1], [0], [0], [1], [0, 0, 1, 1], [], []>, transpose_lhs_hint = false} : vector<3200x4xbf16>, vector<4x128xbf16>, vector<3200x128xf32> -> vector<3200x128xf32>
    %add3A_29 = arith.addf %add3A, %dot_general3A_28 : vector<3200x128xf32>
    %get3A_30 = arith.constant 0 : index
    %get3A_31 = arith.constant 0 : index
    %get3A_32 = vector.load %arg8[%get3A_30, %get3A_31] : memref<1x128xf32, #tpu.memory_space<vmem>>, vector<1x128xf32>
    %add3A_33 = vector.broadcast %get3A_32 : vector<1x128xf32> to vector<3200x128xf32>
    %add3A_34 = arith.addf %add3A_29, %add3A_33 : vector<3200x128xf32>
    %swap3A = arith.constant 0 : index
    %swap3A_35 = arith.constant 0 : index
    %swap3A_36 = vector.load %arg9[%swap3A, %swap3A_35] : memref<3200x128xf32, #tpu.memory_space<vmem>>, vector<3200x128xf32>
    tpu.vector_store %arg9[%swap3A, %swap3A_35], %add3A_34 {strides = array<i32>} : memref<3200x128xf32, #tpu.memory_space<vmem>>, vector<3200x128xf32>,
    return
  }
  func.func @transform_0(%arg0: i32) -> (i32, i32) {
    %c0_i32 = arith.constant 0 : i32
    %c0_i32_0 = arith.constant 0 : i32
    return %arg0, %c0_i32 : i32, i32
  }
  func.func @transform_1(%arg0: i32) -> (i32, i32) {
    %c0_i32 = arith.constant 0 : i32
    %c0_i32_0 = arith.constant 0 : i32
    return %arg0, %c0_i32 : i32, i32
  }
  func.func @transform_2(%arg0: i32) -> (i32, i32) {
    %add3A = arith.constant 0 : i32
    %add3A_0 = arith.addi %arg0, %add3A : i32
    %c0_i32 = arith.constant 0 : i32
    %c0_i32_1 = arith.constant 0 : i32
    return %add3A_0, %c0_i32 : i32, i32
  }
  func.func @transform_3(%arg0: i32) -> (i32, i32) {
    %add3A = arith.constant 0 : i32
    %add3A_0 = arith.addi %arg0, %add3A : i32
    %c0_i32 = arith.constant 0 : i32
    %c0_i32_1 = arith.constant 0 : i32
    return %add3A_0, %c0_i32 : i32, i32
  }
  func.func @transform_4(%arg0: i32) -> (i32, i32) {
    %c0_i32 = arith.constant 0 : i32
    %c0_i32_0 = arith.constant 0 : i32
    %c0_i32_1 = arith.constant 0 : i32
    return %c0_i32, %c0_i32_0 : i32, i32
  }
  func.func @transform_5(%arg0: i32) -> (i32, i32) {
    %c0_i32 = arith.constant 0 : i32
    %c0_i32_0 = arith.constant 0 : i32
    %c0_i32_1 = arith.constant 0 : i32
    return %c0_i32, %c0_i32_0 : i32, i32
  }
  func.func @transform_6(%arg0: i32) -> (i32, i32) {
    %c0_i32 = arith.constant 0 : i32
    %c0_i32_0 = arith.constant 0 : i32
    %c0_i32_1 = arith.constant 0 : i32
    return %c0_i32, %c0_i32_0 : i32, i32
  }
  func.func @transform_7(%arg0: i32) -> (i32, i32) {
    %c0_i32 = arith.constant 0 : i32
    %c0_i32_0 = arith.constant 0 : i32
    %c0_i32_1 = arith.constant 0 : i32
    return %c0_i32, %c0_i32_0 : i32, i32
  }
  func.func @transform_8(%arg0: i32) -> (i32, i32) {
    %add3A = arith.constant 0 : i32
    %add3A_0 = arith.addi %arg0, %add3A : i32
    %c0_i32 = arith.constant 0 : i32
    %c0_i32_1 = arith.constant 0 : i32
    return %add3A_0, %c0_i32 : i32, i32
  }
}

module attributes {stable_mosaic.version = 14 : i64} {
  func.func @_acc_body(%arg0: i32, %arg1: memref<8x128xf32, #tpu.memory_space<vmem>>, %arg2: memref<3200x128xf32, #tpu.memory_space<vmem>>, %arg3: memref<3200x128xf32, #tpu.memory_space<vmem>>, %arg4: memref<3200x16xf32, #tpu.memory_space<vmem>>, %arg5: memref<3200x4xf32, #tpu.memory_space<vmem>>, %arg6: memref<128x128xbf16, #tpu.memory_space<vmem>>, %arg7: memref<16x128xbf16, #tpu.memory_space<vmem>>, %arg8: memref<4x128xbf16, #tpu.memory_space<vmem>>, %arg9: memref<1x128xf32, #tpu.memory_space<vmem>>, %arg10: memref<3200x128xf32, #tpu.memory_space<vmem>>) attributes {dimension_semantics = [#tpu.dimension_semantics<arbitrary>], iteration_bounds = array<i64: 50>, scalar_prefetch = 0 : i64, scratch_operands = 0 : i64, tpu.core_type = #tpu.core_type<tc>, window_params = [{transform_indices = @transform_0, window_bounds = array<i64: 8, 128>}, {transform_indices = @transform_1, window_bounds = array<i64: 3200, 128>}, {transform_indices = @transform_2, window_bounds = array<i64: 3200, 128>}, {transform_indices = @transform_3, window_bounds = array<i64: 3200, 16>}, {transform_indices = @transform_4, window_bounds = array<i64: 3200, 4>}, {pipeline_mode = #tpu.pipeline_mode<synchronous>, transform_indices = @transform_5, window_bounds = array<i64: 128, 128>}, {pipeline_mode = #tpu.pipeline_mode<synchronous>, transform_indices = @transform_6, window_bounds = array<i64: 16, 128>}, {pipeline_mode = #tpu.pipeline_mode<synchronous>, transform_indices = @transform_7, window_bounds = array<i64: 4, 128>}, {pipeline_mode = #tpu.pipeline_mode<synchronous>, transform_indices = @transform_8, window_bounds = array<i64: 1, 128>}, {transform_indices = @transform_9, window_bounds = array<i64: 3200, 128>}]} {
    %get3A = arith.constant 0 : index
    %get3A_0 = arith.constant 0 : index
    %get3A_1 = vector.load %arg2[%get3A, %get3A_0] : memref<3200x128xf32, #tpu.memory_space<vmem>>, vector<3200x128xf32>
    %get3A_2 = arith.constant 0 : index
    %get3A_3 = arith.constant 0 : index
    %get3A_4 = vector.load %arg3[%get3A_2, %get3A_3] : memref<3200x128xf32, #tpu.memory_space<vmem>>, vector<3200x128xf32>
    %sub3A = arith.subf %get3A_1, %get3A_4 : vector<3200x128xf32>
    %max3A = arith.constant 0.000000e+00 : f32
    %max3A_5 = vector.broadcast %max3A : f32 to vector<3200x128xf32>
    %max3A_6 = arith.maximumf %sub3A, %max3A_5 : vector<3200x128xf32>
    %convert_element_type3A = arith.truncf %max3A_6 : vector<3200x128xf32> to vector<3200x128xbf16>
    %get3A_7 = arith.constant 0 : index
    %get3A_8 = arith.constant 0 : index
    %get3A_9 = vector.load %arg6[%get3A_7, %get3A_8] : memref<128x128xbf16, #tpu.memory_space<vmem>>, vector<128x128xbf16>
    %dot_general3A = arith.constant dense<0.000000e+00> : vector<3200x128xf32>
    %dot_general3A_10 = tpu.matmul %convert_element_type3A, %get3A_9, %dot_general3A {dimension_numbers = #tpu.dot_dimension_numbers<[1], [0], [0], [1], [0, 0, 1, 1], [], []>, transpose_lhs_hint = false} : vector<3200x128xbf16>, vector<128x128xbf16>, vector<3200x128xf32> -> vector<3200x128xf32>
    %get3A_11 = arith.constant 0 : index
    %get3A_12 = arith.constant 0 : index
    %get3A_13 = vector.load %arg4[%get3A_11, %get3A_12] : memref<3200x16xf32, #tpu.memory_space<vmem>>, vector<3200x16xf32>
    %convert_element_type3A_14 = arith.truncf %get3A_13 : vector<3200x16xf32> to vector<3200x16xbf16>
    %get3A_15 = arith.constant 0 : index
    %get3A_16 = arith.constant 0 : index
    %get3A_17 = vector.load %arg7[%get3A_15, %get3A_16] : memref<16x128xbf16, #tpu.memory_space<vmem>>, vector<16x128xbf16>
    %dot_general3A_18 = arith.constant dense<0.000000e+00> : vector<3200x128xf32>
    %dot_general3A_19 = tpu.matmul %convert_element_type3A_14, %get3A_17, %dot_general3A_18 {dimension_numbers = #tpu.dot_dimension_numbers<[1], [0], [0], [1], [0, 0, 1, 1], [], []>, transpose_lhs_hint = false} : vector<3200x16xbf16>, vector<16x128xbf16>, vector<3200x128xf32> -> vector<3200x128xf32>
    %add3A = arith.addf %dot_general3A_10, %dot_general3A_19 : vector<3200x128xf32>
    %get3A_20 = arith.constant 0 : index
    %get3A_21 = arith.constant 0 : index
    %get3A_22 = vector.load %arg5[%get3A_20, %get3A_21] : memref<3200x4xf32, #tpu.memory_space<vmem>>, vector<3200x4xf32>
    %convert_element_type3A_23 = arith.truncf %get3A_22 : vector<3200x4xf32> to vector<3200x4xbf16>
    %get3A_24 = arith.constant 0 : index
    %get3A_25 = arith.constant 0 : index
    %get3A_26 = vector.load %arg8[%get3A_24, %get3A_25] : memref<4x128xbf16, #tpu.memory_space<vmem>>, vector<4x128xbf16>
    %dot_general3A_27 = arith.constant dense<0.000000e+00> : vector<3200x128xf32>
    %dot_general3A_28 = tpu.matmul %convert_element_type3A_23, %get3A_26, %dot_general3A_27 {dimension_numbers = #tpu.dot_dimension_numbers<[1], [0], [0], [1], [0, 0, 1, 1], [], []>, transpose_lhs_hint = false} : vector<3200x4xbf16>, vector<4x128xbf16>, vector<3200x128xf32> -> vector<3200x128xf32>
    %add3A_29 = arith.addf %add3A, %dot_general3A_28 : vector<3200x128xf32>
    %get3A_30 = arith.constant 0 : index
    %get3A_31 = arith.constant 0 : index
    %get3A_32 = vector.load %arg9[%get3A_30, %get3A_31] : memref<1x128xf32, #tpu.memory_space<vmem>>, vector<1x128xf32>
    %add3A_33 = vector.broadcast %get3A_32 : vector<1x128xf32> to vector<3200x128xf32>
    %add3A_34 = arith.addf %add3A_29, %add3A_33 : vector<3200x128xf32>
    %swap3A = arith.constant 0 : index
    %swap3A_35 = arith.constant 0 : index
    %swap3A_36 = vector.load %arg10[%swap3A, %swap3A_35] : memref<3200x128xf32, #tpu.memory_space<vmem>>, vector<3200x128xf32>
    tpu.vector_store %arg10[%swap3A, %swap3A_35], %add3A_34 {strides = array<i32>} : memref<3200x128xf32, #tpu.memory_space<vmem>>, vector<3200x128xf32>,
    return
  }
  func.func @transform_0(%arg0: i32) -> (i32, i32) {
    %c0_i32 = arith.constant 0 : i32
    %c0_i32_0 = arith.constant 0 : i32
    %c0_i32_1 = arith.constant 0 : i32
    return %c0_i32, %c0_i32_0 : i32, i32
  }
  func.func @transform_1(%arg0: i32) -> (i32, i32) {
    %c0_i32 = arith.constant 0 : i32
    %c0_i32_0 = arith.constant 0 : i32
    return %arg0, %c0_i32 : i32, i32
  }
  func.func @transform_2(%arg0: i32) -> (i32, i32) {
    %c0_i32 = arith.constant 0 : i32
    %c0_i32_0 = arith.constant 0 : i32
    return %arg0, %c0_i32 : i32, i32
  }
  func.func @transform_3(%arg0: i32) -> (i32, i32) {
    %add3A = arith.constant 50 : i32
    %add3A_0 = arith.addi %arg0, %add3A : i32
    %c0_i32 = arith.constant 0 : i32
    %c0_i32_1 = arith.constant 0 : i32
    return %add3A_0, %c0_i32 : i32, i32
  }
  func.func @transform_4(%arg0: i32) -> (i32, i32) {
    %add3A = arith.constant 50 : i32
    %add3A_0 = arith.addi %arg0, %add3A : i32
    %c0_i32 = arith.constant 0 : i32
    %c0_i32_1 = arith.constant 0 : i32
    return %add3A_0, %c0_i32 : i32, i32
  }
  func.func @transform_5(%arg0: i32) -> (i32, i32) {
    %c0_i32 = arith.constant 0 : i32
    %c0_i32_0 = arith.constant 0 : i32
    %c0_i32_1 = arith.constant 0 : i32
    return %c0_i32, %c0_i32_0 : i32, i32
  }
  func.func @transform_6(%arg0: i32) -> (i32, i32) {
    %c0_i32 = arith.constant 0 : i32
    %c0_i32_0 = arith.constant 0 : i32
    %c0_i32_1 = arith.constant 0 : i32
    return %c0_i32, %c0_i32_0 : i32, i32
  }
  func.func @transform_7(%arg0: i32) -> (i32, i32) {
    %c0_i32 = arith.constant 0 : i32
    %c0_i32_0 = arith.constant 0 : i32
    %c0_i32_1 = arith.constant 0 : i32
    return %c0_i32, %c0_i32_0 : i32, i32
  }
  func.func @transform_8(%arg0: i32) -> (i32, i32) {
    %c0_i32 = arith.constant 0 : i32
    %c0_i32_0 = arith.constant 0 : i32
    %c0_i32_1 = arith.constant 0 : i32
    return %c0_i32, %c0_i32_0 : i32, i32
  }
  func.func @transform_9(%arg0: i32) -> (i32, i32) {
    %add3A = arith.constant 50 : i32
    %add3A_0 = arith.addi %arg0, %add3A : i32
    %c0_i32 = arith.constant 0 : i32
    %c0_i32_1 = arith.constant 0 : i32
    return %add3A_0, %c0_i32 : i32, i32
  }
}

</mosaic_0001>

<sc_bundles>
// kernel: kernel.10.cloned.1.call-start
scs
__scs_entry_jumppad:
0x0: {  	(pc) =	sbr.rel $0x88, $3  }
0x1: {  	(tag) =	ssettag $0x0;
	lr =	simm.s32 $0x1  }
0x2: {  	[smem:$0x3F9A] =	sst lr;
	_ =	strace $0xD0000000  }
0x3: {  	_ = 	snop  }
0x4: {  	_ = 	snop  }
0x5: {  	_ = 	snop  }
0x6: {  	_ = 	snop  }
0x7: {  	_ = 	snop  }
__scs_overlays_trampoline_lowered:
0x8: {  	[smem:$0x3FA9] =	sst s0  }
0x9: {  	[smem:$0x3FAA] =	sst s1  }
0xa: {  	[smem:$0x3FAB] =	sst s2  }
0xb: {  	[smem:$0x3FAC] =	sst s3  }
0xc: {  	[smem:$0x3FAD] =	sst s4  }
0xd: {  	[smem:$0x3FAE] =	sst s5  }
0xe: {  	[smem:$0x3FAF] =	sst s6  }
0xf: {  	[smem:$0x3FB0] =	sst s7  }
0x10: {  	[smem:$0x3FB1] =	sst s8  }
0x11: {  	[smem:$0x3FB2] =	sst s9;
	s0 =	simm.s32 @!p0 $0x0  }
0x12: {  	s1 =	sld [smem:$0x3F98];
	s0 =	simm.s32 @p0 $0x1  }
0x13: {  	[smem:$0x3FB3] =	sst s0;
	s0 =	simm.s32 @!p1 $0x0  }
0x14: {  	s2 =	sld [smem:$0x3F97];
	s0 =	simm.s32 @p1 $0x1  }
0x15: {  	[smem:$0x3FB4] =	sst s0;
	s0 =	simm.s32 @!p2 $0x0  }
0x16: {  	s3 =	sld [smem:$0x3FDB];
	s0 =	simm.s32 @p2 $0x1  }
0x17: {  	s4 =	simm.s32 $0x1BF5;
	[smem:$0x3FB6] =	sst s0  }
0x18: {  	s0 =	sld [smem:$0x3F99];
	_ =	swait.ge [sflag:s4], $0x0  }
0x19: {  	s7 =	sld [smem:$0x3F9A]  }
0x1a: {  	s8 =	sadd.s32 $0xFFFFE003, lr  }
0x1b: {  	s9 =	sadd.s32 $0xFFFFFEF7, lr;
	s5 =	simm.s32 $0xFFFFFFFF;
	p2 =	slt.u32 s8, $0xFFFFF086  }
0x1c: {  	p1 =	slt.u32 s9, $0xF7A;
	s5 =	simm.s32 @!p2 $0x0  }
0x1d: {  	s5 =	simm.s32 @p1 $0x1;
	p0 =	seq.s32 s7, s2  }
0x1e: {  	s7 =	smul.u32 @!p0 $0xF7A, s2;
	p2 =	seq.s32 @!p0 s5, $0x0  }
0x1f: {  	s9 =	smul.u32 $0xF7A, s1;
	s8 =	simm.s32 @!p0 $0x1BF5;
	p2 =	por !p2, p0  }
0x20: {  	[sflag:s8] =	ssyncset.s32 @!p0 $0xFFFFF086;
	s6 =	sadd.s32 @!p0 s3, s7;
	s7 =	simm.s32 @!p0 $0x108  }
0x21: {  	s3 =	sadd.s32 s3, s9;
	s6 =	sadd.s32 @!p0 $0x88, s6;
	s7 =	simm.s32 @p2 $0x1082  }
0x22: {  	[simem:s7], [sflag:s8] =	dma.local @!p0 [hbm:s6], $0xF7A  }
0x23: {  	s9 =	sor.u32 $0xD0000000, s2;
	s6 =	simm.s32 $0x108;
	_ =	swait.ge @!p0 [sflag:s8], $0x0  }
0x24: {  	s3 =	sadd.s32 $0x88, s3;
	s6 =	simm.s32 @!p1 $0x1082;
	[sflag:s4] =	ssyncset.s32 $0xFFFFF086  }
0x25: {  	[simem:s6], [sflag:s4] =	dma.local [hbm:s3], $0xF7A  }
0x26: {  	[smem:$0x3F9A] =	sst s1;
	(tag) =	ssettag s2;
	_ =	strace s9  }
0x27: {  	s1 =	sld [smem:$0x3FAA]  }
0x28: {  	s2 =	sld [smem:$0x3FAB]  }
0x29: {  	s4 =	sld [smem:$0x3FAD]  }
0x2a: {  	p0 =	seq.s32 s5, $0x0;
	s5 =	sld [smem:$0x3FAE]  }
0x2b: {  	s6 =	sld [smem:$0x3FAF]  }
0x2c: {  	s7 =	sld [smem:$0x3FB0]  }
0x2d: {  	s3 =	simm.s32 $0x108;
	s8 =	sld [smem:$0x3FB1]  }
0x2e: {  	s3 =	simm.s32 @!p0 $0x1082;
	s9 =	sld [smem:$0x3FB2]  }
0x2f: {  	lr =	sadd.s32 s0, s3;
	s0 =	sld [smem:$0x3FA9]  }
0x30: {  	s3 =	sld [smem:$0x3FAC]  }
0x31: {  	[smem:$0x3FB5] =	sst s10  }
0x32: {  	s10 =	sld [smem:$0x3FB3];
	_ =	sdelay $0x3  }
0x33: {  	p0 =	seq.s32 s10, $0x1;
	s10 =	sld [smem:$0x3FB5];
	_ =	sdelay $0x3  }
0x34: {  	[smem:$0x3FB5] =	sst s10  }
0x35: {  	s10 =	sld [smem:$0x3FB4];
	_ =	sdelay $0x3  }
0x36: {  	p1 =	seq.s32 s10, $0x1;
	s10 =	sld [smem:$0x3FB5];
	_ =	sdelay $0x3  }
0x37: {  	[smem:$0x3FB5] =	sst s10  }
0x38: {  	s10 =	sld [smem:$0x3FB6]  }
0x39: {  	_ = 	snop;
	(pc) =	sbr.ind lr, $3  }
0x3a: {  	_ = 	snop  }
0x3b: {  	_ = 	snop  }
0x3c: {  	p2 =	seq.s32 s10, $0x1;
	s10 =	sld [smem:$0x3FB5]  }
0x3d: {  	_ =	shalt  }
0x3e: {  	_ =	shalt  }
0x3f: {  	_ =	shalt  }
0x40: {  	_ =	shalt  }
0x41: {  	_ =	shalt  }
0x42: {  	_ =	shalt  }
0x43: {  	_ =	shalt  }
0x44: {  	_ =	shalt  }
0x45: {  	_ =	shalt  }
0x46: {  	_ =	shalt  }
0x47: {  	_ =	shalt  }
0x48: {  	_ =	shalt  }
0x49: {  	_ =	shalt  }
0x4a: {  	_ =	shalt  }
0x4b: {  	_ =	shalt  }
0x4c: {  	_ =	shalt  }
0x4d: {  	_ =	shalt  }
0x4e: {  	_ =	shalt  }
0x4f: {  	_ =	shalt  }
0x50: {  	_ =	shalt  }
0x51: {  	_ =	shalt  }
0x52: {  	_ =	shalt  }
0x53: {  	_ =	shalt  }
0x54: {  	_ =	shalt  }
0x55: {  	_ =	shalt  }
0x56: {  	_ =	shalt  }
0x57: {  	_ =	shalt  }
0x58: {  	_ =	shalt  }
0x59: {  	_ =	shalt  }
0x5a: {  	_ =	shalt  }
0x5b: {  	_ =	shalt  }
0x5c: {  	_ =	shalt  }
0x5d: {  	_ =	shalt  }
0x5e: {  	_ =	shalt  }
0x5f: {  	_ =	shalt  }
0x60: {  	_ =	shalt  }
0x61: {  	_ =	shalt  }
0x62: {  	_ =	shalt  }
0x63: {  	_ =	shalt  }
0x64: {  	_ =	shalt  }
0x65: {  	_ =	shalt  }
0x66: {  	_ =	shalt  }
0x67: {  	_ =	shalt  }
0x68: {  	_ =	shalt  }
0x69: {  	_ =	shalt  }
0x6a: {  	_ =	shalt  }
0x6b: {  	_ =	shalt  }
0x6c: {  	_ =	shalt  }
0x6d: {  	_ =	shalt  }
0x6e: {  	_ =	shalt  }
0x6f: {  	_ =	shalt  }
0x70: {  	_ =	shalt  }
0x71: {  	_ =	shalt  }
0x72: {  	_ =	shalt  }
0x73: {  	_ =	shalt  }
0x74: {  	_ =	shalt  }
0x75: {  	_ =	shalt  }
0x76: {  	_ =	shalt  }
0x77: {  	_ =	shalt  }
0x78: {  	_ =	shalt  }
0x79: {  	_ =	shalt  }
0x7a: {  	_ =	shalt  }
0x7b: {  	_ =	shalt  }
0x7c: {  	_ =	shalt  }
0x7d: {  	_ =	shalt  }
0x7e: {  	_ =	shalt  }
0x7f: {  	_ =	shalt  }
0x80: {  	_ =	shalt  }
0x81: {  	_ =	shalt  }
0x82: {  	_ =	shalt  }
0x83: {  	_ =	shalt  }
0x84: {  	_ =	shalt  }
0x85: {  	_ =	shalt  }
0x86: {  	_ =	shalt  }
0x87: {  	_ =	shalt  }
.Lfunc_end0:
.L_simem_size_0:
called_computation.1_lowered:
.L_overlay_start_0:
0x88: {  	s2 =	sld [smem:$0x3FD9]  }
0x89: {  	s3 =	sld [smem:$0x3FFE];
	_ =	sdelay $0x1  }
0x8a: {  	s1 =	srdreg.scid  }
0x8b: {  	s0 =	sand.u32 $0x1, s1  }
0x8c: {  	s17 =	sshll.u32 s0, $0xA;
	s2 =	sadd.s32 s3, s2  }
0x8d: {  	s2 =	sadd.s32 s2, s17  }
0x8e: {  	[smem:$0x3FC1] =	sst s2  }
0x8f: {  	_ = 	snop  }
0x90: {  	(tm) =	ssettm $0x1  }
0x91: {  	s18 =	sld [smem:$0x3FFB];
	_ =	sdelay $0x3  }
0x92: {  	_ =	strace s18  }
0x93: {  	s2 =	sld [smem:$0x3FFC];
	_ =	sdelay $0x3  }
0x94: {  	_ =	strace s2  }
0x95: {  	s2 =	sld [smem:$0x3FFD];
	_ =	sdelay $0x3  }
0x96: {  	_ =	strace s2  }
0x97: {  	_ =	strace $0x8FFFFFFF  }
0x98: {  	s19 =	sld [smem:$0x3FDB];
	_ =	sdelay $0x1  }
0x99: {  	s20 =	simm.s32 $_scs_section_size  }
0x9a: {  	s4 =	simm.s32 $_size__tile_overlayer_lowered;
	s5 =	simm.s32 $_tile_overlayer_lowered  }
0x9b: {  	s6 =	simm.s32 $0x1BFF;
	s21 =	sshll.u32 s5, $0x1;
	s3 =	sadd.s32 s20, s19  }
0x9c: {  	s22 =	simm.s32 $0x0;
	s4 =	sshll.u32 s4, $0x1;
	s5 =	sadd.s32 s21, s3  }
0x9d: {  	[timem:s22], [sflag:s6] =	dma.local [hbm:s5], s4  }
0x9e: {  	_ =	swait.ge [sflag:s6], s4  }
0x9f: {  	s4 =	ssub.s32 $0x0, s4;
	[sflag:s6] =	ssyncset.done $0x0  }
0xa0: {  	[sflag:s6] =	ssyncadd.s32 s4;
	_ =	sdelay $0x1  }
0xa1: {  	s23 =	simm.s32 $0x1B8B  }
0xa2: {  	_ =	swait.ge [sflag:s23], $0x1  }
0xa3: {  	[sflag:s23] =	ssyncset.done $0x0  }
0xa4: {  	[sflag:s23] =	ssyncadd.s32 $0xFFFFFFFF  }
0xa5: {  	s4 =	sld [smem:$0x0]  }
0xa6: {  	s5 =	sand.u32 $0xFFFFFFFE, s1  }
0xa7: {  	p0 =	sne.s32 s1, s5  }
0xa8: {  	s5 =	sshll.u32 @p0 s5, $0xE  }
0xa9: {  	s5 =	sadd.s32 @p0 $0x11B8D, s5;
	s6 =	sshll.u32 @p0 s4, $0x11  }
0xaa: {  	s5 =	sor.u32 @p0 s6, s5  }
0xab: {  	[sflag:s5] =	ssyncadd.remote.s32 @p0 $0x1;
	_ =	sdelay $0x1  }
0xac: {  	s5 =	simm.s32 @p0 $0x1B8D  }
0xad: {  	_ =	swait.eq @p0 [sflag:s5], $0x1  }
0xae: {  	[sflag:s5] =	ssyncadd.s32 @p0 $0xFFFFFFFF  }
0xaf: {  	s6 =	sshll.u32 @!p0 s1, $0xE  }
0xb0: {  	s6 =	sor.u32 @!p0 $0x4000, s6;
	s5 =	simm.s32 @!p0 $0x1B8D  }
0xb1: {  	s4 =	sshll.u32 @!p0 s4, $0x11;
	s6 =	sadd.s32 @!p0 $0x11B8D, s6;
	_ =	swait.eq @!p0 [sflag:s5], $0x1  }
0xb2: {  	s4 =	sor.u32 @!p0 s4, s6;
	[sflag:s5] =	ssyncadd.s32 @!p0 $0xFFFFFFFF  }
0xb3: {  	s25 =	simm.s32 $0x1B8E;
	s24 =	sld [smem:$0x3FFE];
	[sflag:s4] =	ssyncadd.remote.s32 @!p0 $0x1  }
0xb4: {  	s26 =	simm.s32 $execute0_lowered;
	[smem:$0x3FD2] =	sst s25  }
0xb5: {  	s5 =	sshll.u32 s26, $0x1;
	_ =	strace $0x80000049;
	[dreg:$0x1] =	wrdreg $0xFFFFFFFF  }
0xb6: {  	s28 =	simm.s32 $_size_execute0_lowered;
	s3 =	sadd.s32 s3, s5;
	[dreg:$0x0] =	wrdreg $0x0  }
0xb7: {  	s5 =	sshll.u32 s28, $0x1;
	[dreg:$0x2] =	wrdreg s3  }
0xb8: {  	[dreg:$0x3] =	wrdreg s5  }
0xb9: {  	[dreg:$0x4] =	wrdreg $0xC0  }
0xba: {  	_ =	task [dreg:s22], $0x5FFFF  }
0xbb: {  	[dreg:$0x1] =	wrdreg $0xFFFFFFFF  }
0xbc: {  	[dreg:$0x0] =	wrdreg $0x60  }
0xbd: {  	[dreg:$0x2] =	wrdreg s24  }
0xbe: {  	[dreg:$0x3] =	wrdreg $0xA  }
0xbf: {  	_ =	task.clear_ibuf [dreg:s22], $0x4FFFF;
	_ =	strace $0x90000049  }
0xc0: {  	s29 =	simm.s32 $0xA;
	_ =	strace $0x8000004B  }
0xc1: {  	_ =	swait.ge [sflag:s29], $0x1  }
0xc2: {  	[sflag:s29] =	ssyncadd.s32 $0xFFFFFFFF  }
0xc3: {  	_ =	strace $0x9000004B  }
0xc4: {  	_ =	sfence  }
0xc5: {  	s30 =	sld [smem:$0x0];
	_ =	sdelay $0x2  }
0xc6: {  	s31 =	sshll.u32 s1, $0xD;
	s1 =	sshrl.u32 s1, $0x2  }
0xc7: {  	s4 =	sand.u32 $0x4000, s31;
	s1 =	sadd.s32 s1, s30  }
0xc8: {  	s0 =	sor.u32 s4, s0;
	s1 =	sshll.u32 s1, $0x11  }
0xc9: {  	s0 =	sor.u32 s1, s0  }
0xca: {  	s0 =	sadd.s32 $0x8F2B, s0  }
0xcb: {  	[sflag:s0] =	ssyncadd.remote.s32 $0x1  }
0xcc: {  	_ =	sfence.sel $0xFFFF  }
0xcd: {  	[dreg:$0x0] =	wrdreg $0xFFFFFFFF;
	(pc) =	sbr.abs _section_cstart, $3  }
0xce: {  	[dreg:$0x1] =	wrdreg $0xFFFFFFFF  }
0xcf: {  	_ =	task.clear_ibuf [dreg:s22], $0x2FFFF;
	_ =	strace $0x9FFFFFFF  }
0xd0: {  	(tm) =	ssettm $0x7FFFFFFF  }
0xd1: {  	_ =	shalt  }
tec
execute0_lowered:
.L_overlay_start_1:
0x0: {  	(tag) =	ssettag $0x1  }
0x1: {  	s5 =	stileid.u32  }
0x2: {  	s0 =	srdreg.scid;
	s1 =	rddreg [dreg:$0x0]  }
0x3: {  	s2 =	simm.s32 $0x0;
	s9 =	simm.s32 $0x9;
	s10 =	simm.s32 $0x1400  }
0x4: {  	s11 =	simm.s32 $0x28;
	s14 =	simm.s32 $0x3C00;
	s15 =	simm.s32 $0x1428  }
0x5: {  	s16 =	simm.s32 $0x8C00;
	s17 =	simm.s32 $0x5;
	s18 =	simm.s32 $0x6  }
0x6: {  	s19 =	simm.s32 $0x7;
	s0 =	sand.u32 $0x1, s0;
	s3 =	sshll.u32 s5, $0x1  }
0x7: {  	s20 =	simm.s32 $0x8;
	s5 =	smul.u32 $0x27100, s5;
	s3 =	sor.u32 s0, s3  }
0x8: {  	s21 =	simm.s32 $0x0;
	[smem:$0x7FF] =	sst s2;
	s4 =	smul.u32 $0x1388, s3  }
0x9: {  	_ =	strace $0x8000004A;
	s6 =	ssub.s32 $0x2, s0;
	s0 =	smul.u32 $0x13880, s0  }
0xa: {  	s3 =	sadd.s32 $0x3200, s1;
	s7 =	sshrl.u32 s6, $0x1;
	s4 =	sshrl.u32 s4, $0x3  }
0xb: {  	s6 =	ssub.s32 s6, s7;
	s8 =	sadd.s32 s1, s4;
	s1 =	sadd.s32 s5, s1  }
0xc: {  	s6 =	smax.u32 s6, $0x1;
	s4 =	sadd.s32 $0x2F220, s8;
	s0 =	sadd.s32 s0, s1  }
0xd: {  	s5 =	sadd.s32 $0x39020, s8;
	s7 =	sadd.s32 $0x520000, s0;
	s8 =	sadd.s32 $0x791000, s0  }
.LBB2_1:
0xe: {  	[tilespmem:s2], [sflag:$0x9] =	stream.linear.gather [hbm4b:s4+s2], $0x1388, $0x38;
	[tilespmem:$0xC800] =	vst v63  }
0xf: {  	_ =	swait.ge [sflag:s9], $0x1388  }
0x10: {  	[sflag:s9] =	ssyncset.done $0x0  }
0x11: {  	[sflag:s9] =	ssyncadd.s32 $0xFFFFEC78  }
0x12: {  	[tilespmem:s10], [sflag:$0x9] =	stream.linear.gather [hbm4b:s5+s2], $0x1388, $0x38;
	[tilespmem:$0xC800] =	vst v63  }
0x13: {  	_ =	swait.ge [sflag:s9], $0x1388  }
0x14: {  	[sflag:s9] =	ssyncset.done $0x0  }
0x15: {  	s0 =	simm.s32 $0x2800;
	p0 =	por $0x0, $0x0;
	[sflag:s9] =	ssyncadd.s32 $0xFFFFEC78  }
0x16: {  	[tilespmem:s0], [sflag:$0x1] =	stream.indirect.gather [hbm4b:s3+s11], $0x80, s2, s11, $0xb8;
	[tilespmem:$0xC800] =	vst v63  }
0x17: {  	s25 =	simm.s32 $0x7800;
	p1 =	por @!p0 $0x1, $0x1;
	s0 =	simm.s32 $0x2  }
0x18: {  	[tilespmem:s25], [sflag:$0x1] =	stream.indirect.gather [hbm4b:s3+s11], $0x80, s10, s11, $0xb8;
	[tilespmem:$0xC800] =	vst v63  }
0x19: {  	p1 =	por p1, p0;
	s0 =	sand.u32 @!p0 $0x3, s0  }
0x1a: {  	[tilespmem:s14], [sflag:$0x2] =	stream.indirect.gather [hbm4b:s3+s11], $0x80, s11, s11, $0xb8;
	[tilespmem:$0xC800] =	vst v63  }
0x1b: {  	s1 =	sadd.s32 @!p1 $0x5, s0  }
0x1c: {  	[tilespmem:s16], [sflag:$0x2] =	stream.indirect.gather [hbm4b:s3+s11], $0x80, s15, s11, $0xb8;
	[tilespmem:$0xC800] =	vst v63  }
0x1d: {  	_ =	swait.ge @!p1 [sflag:s1], $0x1400  }
0x1e: {  	[sflag:s1] =	ssyncset.done @!p1 $0x0  }
0x1f: {  	s12 =	simm.s32 $0x1450;
	s22 =	simm.s32 $0x50;
	[sflag:s1] =	ssyncadd.s32 @!p1 $0xFFFFEC00  }
0x20: {  	s26 =	sand.u32 $0x3, s2;
	s13 =	smul.u32 @!p0 $0x1400, s0;
	_ =	swait.ge @!p1 [sflag:s1], $0x1400  }
0x21: {  	s28 =	simm.s32 $0x2;
	s23 =	simm.s32 @!p0 $0x28;
	[sflag:s1] =	ssyncset.done @!p1 $0x0  }
0x22: {  	s0 =	sadd.s32 @!p0 $0x1, s0;
	[sflag:s1] =	ssyncadd.s32 @!p1 $0xFFFFEC00;
	s1 =	sadd.s32 @!p0 $0x2800, s13  }
0x23: {  	[tilespmem:s1], [sflag:s0] =	stream.indirect.gather @!p0 [hbm4b:s3+s23], $0x80, s22, s23, $0xb8;
	[tilespmem:$0xC800] =	vst v63  }
0x24: {  	s24 =	sadd.s32 $0x280, s7;
	s30 =	smov.u32 s7;
	s1 =	sadd.s32 @!p0 $0x7800, s13  }
0x25: {  	[tilespmem:s1], [sflag:s0] =	stream.indirect.gather @!p0 [hbm4b:s3+s23], $0x80, s12, s23, $0xb8;
	[tilespmem:$0xC800] =	vst v63  }
0x26: {  	s29 =	smov.u32 s8;
	s31 =	sadd.s32 $0x5, s26;
	s12 =	sadd.s32 $0x1, s26  }
0x27: {  	s25 =	simm.s32 $0x78;
	s22 =	simm.s32 $0x1;
	_ =	swait.ge [sflag:s12], $0x1400  }
0x28: {  	s1 =	smul.u32 $0x1400, s26;
	s26 =	simm.s32 $0x1478;
	[sflag:s12] =	ssyncset.done $0x0  }
0x29: {  	s0 =	simm.s32 $0x3;
	p0 =	por $0x0, $0x0;
	[sflag:s12] =	ssyncadd.s32 $0xFFFFEC00  }
0x2a: {  	s23 =	sadd.s32 $0x280, s8;
	s0 =	sand.u32 @!p0 $0x3, s0;
	_ =	swait.ge [sflag:s12], $0x1400  }
0x2b: {  	p2 =	por @!p0 $0x1, $0x1;
	s13 =	sadd.s32 $0x2800, s1;
	[sflag:s12] =	ssyncset.done $0x0  }
.LBB2_2:
0x2c: {  	p2 =	por p2, p0  }
0x2d: {  	[sflag:s12] =	ssyncadd.s32 $0xFFFFEC00;
	s12 =	smov.u32 s28;
	s28 =	sadd.s32 $0x1, s28  }
0x2e: {  	[hbm4b:s30+s2] =	stream.linear.scatter [tilespmem:s13], [sflag:s31], $0x1400, $0x38;
	[tilespmem:$0xC800] =	vst v63  }
0x2f: {  	s1 =	sadd.s32 $0x7800, s1;
	p1 =	sne.s32 s28, $0x7D;
	s13 =	sadd.s32 @!p2 $0x5, s0  }
0x30: {  	[hbm4b:s29+s2] =	stream.linear.scatter [tilespmem:s1], [sflag:s31], $0x1400, $0x38;
	[tilespmem:$0xC800] =	vst v63  }
0x31: {  	s30 =	smov.u32 s24;
	s29 =	smov.u32 s23;
	_ =	swait.ge @!p2 [sflag:s13], $0x1400  }
0x32: {  	[sflag:s13] =	ssyncset.done @!p2 $0x0  }
0x33: {  	[sflag:s13] =	ssyncadd.s32 @!p2 $0xFFFFEC00  }
0x34: {  	s1 =	smul.u32 @!p0 $0x1400, s0;
	_ =	swait.ge @!p2 [sflag:s13], $0x1400  }
0x35: {  	s0 =	sadd.s32 @!p0 $0x1, s0;
	s31 =	simm.s32 @!p0 $0x28;
	[sflag:s13] =	ssyncset.done @!p2 $0x0  }
0x36: {  	[sflag:s13] =	ssyncadd.s32 @!p2 $0xFFFFEC00;
	s13 =	sadd.s32 @!p0 $0x2800, s1;
	s1 =	sadd.s32 @!p0 $0x7800, s1  }
0x37: {  	[tilespmem:s13], [sflag:s0] =	stream.indirect.gather @!p0 [hbm4b:s3+s31], $0x80, s25, s31, $0xb8;
	[tilespmem:$0xC800] =	vst v63  }
0x38: {  	s13 =	sand.u32 $0x3, s22;
	s22 =	smov.u32 s12  }
0x39: {  	[tilespmem:s1], [sflag:s0] =	stream.indirect.gather @!p0 [hbm4b:s3+s31], $0x80, s26, s31, $0xb8;
	[tilespmem:$0xC800] =	vst v63  }
0x3a: {  	s12 =	sadd.s32 $0x1, s13;
	s1 =	smul.u32 $0x1400, s13;
	s31 =	sadd.s32 $0x5, s13  }
.Ltmp0:
0x3b: {  	s25 =	sadd.s32 $0x28, s25;
	_ =	swait.ge [sflag:s12], $0x1400;
	(pc) =	sbr.rel @p1 .LBB2_2-.Ltmp0, $4  }
0x3c: {  	s26 =	sadd.s32 $0x28, s26;
	s13 =	sadd.s32 $0x2800, s1;
	[sflag:s12] =	ssyncset.done $0x0  }
0x3d: {  	s24 =	sadd.s32 $0x280, s24;
	s23 =	sadd.s32 $0x280, s23;
	[sflag:s12] =	ssyncadd.s32 $0xFFFFEC00  }
0x3e: {  	s0 =	sadd.s32 $0x2, s22;
	p0 =	sgt.u32 s22, $0x7A;
	_ =	swait.ge [sflag:s12], $0x1400  }
0x3f: {  	s0 =	sand.u32 @!p0 $0x3, s0;
	p2 =	slt.u32 @!p0 s22, $0x2;
	[sflag:s12] =	ssyncset.done $0x0  }
0x40: {  	p1 =	por p2, p0;
	[sflag:s12] =	ssyncadd.s32 $0xFFFFEC00  }
0x41: {  	[hbm4b:s30+s2] =	stream.linear.scatter [tilespmem:s13], [sflag:s31], $0x1400, $0x38;
	[tilespmem:$0xC800] =	vst v63  }
0x42: {  	s1 =	sadd.s32 $0x7800, s1;
	s12 =	sadd.s32 @!p1 $0x5, s0  }
0x43: {  	[hbm4b:s29+s2] =	stream.linear.scatter [tilespmem:s1], [sflag:s31], $0x1400, $0x38;
	[tilespmem:$0xC800] =	vst v63  }
0x44: {  	_ =	swait.ge @!p1 [sflag:s12], $0x1400  }
0x45: {  	[sflag:s12] =	ssyncset.done @!p1 $0x0  }
0x46: {  	[sflag:s12] =	ssyncadd.s32 @!p1 $0xFFFFEC00  }
0x47: {  	s1 =	smul.u32 @!p0 $0x1400, s0;
	_ =	swait.ge @!p1 [sflag:s12], $0x1400  }
0x48: {  	s13 =	simm.s32 @!p0 $0x28;
	[sflag:s12] =	ssyncset.done @!p1 $0x0  }
0x49: {  	s0 =	sadd.s32 @!p0 $0x1, s0;
	[sflag:s12] =	ssyncadd.s32 @!p1 $0xFFFFEC00;
	s12 =	sadd.s32 @!p0 $0x2800, s1  }
0x4a: {  	[tilespmem:s12], [sflag:s0] =	stream.indirect.gather @!p0 [hbm4b:s3+s13], $0x80, s25, s13, $0xb8;
	[tilespmem:$0xC800] =	vst v63  }
0x4b: {  	s25 =	sand.u32 $0x3, s22  }
0x4c: {  	s1 =	sadd.s32 @!p0 $0x7800, s1;
	s28 =	sadd.s32 $0x1, s25  }
0x4d: {  	[tilespmem:s1], [sflag:s0] =	stream.indirect.gather @!p0 [hbm4b:s3+s13], $0x80, s26, s13, $0xb8;
	[tilespmem:$0xC800] =	vst v63  }
0x4e: {  	_ =	swait.ge [sflag:s28], $0x1400  }
0x4f: {  	[sflag:s28] =	ssyncset.done $0x0  }
0x50: {  	[sflag:s28] =	ssyncadd.s32 $0xFFFFEC00  }
0x51: {  	s29 =	smul.u32 $0x1400, s25;
	_ =	swait.ge [sflag:s28], $0x1400  }
0x52: {  	[sflag:s28] =	ssyncset.done $0x0  }
0x53: {  	s12 =	sadd.s32 $0x5, s25;
	s30 =	sadd.s32 $0x2800, s29;
	[sflag:s28] =	ssyncadd.s32 $0xFFFFEC00  }
0x54: {  	[hbm4b:s24+s2] =	stream.linear.scatter [tilespmem:s30], [sflag:s12], $0x1400, $0x38;
	[tilespmem:$0xC800] =	vst v63  }
0x55: {  	s31 =	sadd.s32 $0x7800, s29  }
0x56: {  	[hbm4b:s23+s2] =	stream.linear.scatter [tilespmem:s31], [sflag:s12], $0x1400, $0x38;
	[tilespmem:$0xC800] =	vst v63  }
0x57: {  	_ =	swait.ge [sflag:s17], $0x1400  }
0x58: {  	[sflag:s17] =	ssyncset.done $0x0  }
0x59: {  	[sflag:s17] =	ssyncadd.s32 $0xFFFFEC00  }
0x5a: {  	_ =	swait.ge [sflag:s17], $0x1400  }
0x5b: {  	[sflag:s17] =	ssyncset.done $0x0  }
0x5c: {  	[sflag:s17] =	ssyncadd.s32 $0xFFFFEC00  }
0x5d: {  	_ =	swait.ge [sflag:s18], $0x1400  }
0x5e: {  	[sflag:s18] =	ssyncset.done $0x0  }
0x5f: {  	[sflag:s18] =	ssyncadd.s32 $0xFFFFEC00  }
0x60: {  	_ =	swait.ge [sflag:s18], $0x1400  }
0x61: {  	[sflag:s18] =	ssyncset.done $0x0  }
0x62: {  	[sflag:s18] =	ssyncadd.s32 $0xFFFFEC00  }
0x63: {  	_ =	swait.ge [sflag:s19], $0x1400  }
0x64: {  	[sflag:s19] =	ssyncset.done $0x0  }
0x65: {  	[sflag:s19] =	ssyncadd.s32 $0xFFFFEC00  }
0x66: {  	_ =	swait.ge [sflag:s19], $0x1400  }
0x67: {  	[sflag:s19] =	ssyncset.done $0x0  }
0x68: {  	s21 =	sadd.s32 $0x1, s21;
	[sflag:s19] =	ssyncadd.s32 $0xFFFFEC00  }
0x69: {  	p0 =	sne.s32 s21, s6;
	_ =	swait.ge [sflag:s20], $0x1400  }
.Ltmp1:
0x6a: {  	[sflag:s20] =	ssyncset.done $0x0;
	(pc) =	sbr.rel @p0 .LBB2_1-.Ltmp1, $4  }
0x6b: {  	[sflag:s20] =	ssyncadd.s32 $0xFFFFEC00  }
0x6c: {  	_ =	swait.ge [sflag:s20], $0x1400  }
0x6d: {  	[sflag:s20] =	ssyncset.done $0x0  }
0x6e: {  	[sflag:s20] =	ssyncadd.s32 $0xFFFFEC00  }
0x6f: {  	_ =	sfence.sel $0x180000  }
0x70: {  	[bflag:$0x0] =	sbarrier.arrive $0xFFFF  }
0x71: {  	_ =	strace $0x9000004A  }
0x72: {  	s0 =	stileid.u32;
	[bflag:$0x2] =	sbarrier.arrive $0xFFFF  }
0x73: {  	p0 =	sne.s32 s0, $0x0;
	s0 =	rddreg [dreg:$0x1]  }
0x74: {  	s0 =	sadd.s32 @!p0 $0x100000, s0  }
0x75: {  	[sflag:s0] =	ssyncadd.tile.s32 @!p0 $0x1;
	_ =	shalt  }
.Lfunc_end2:
_tile_overlayer_lowered:
.L_overlay_start_2:
0x76: {  	(tag) =	ssettag $0x2  }
0x77: {  	s0 =	rddreg [dreg:$0x0];
	s2 =	stileid.u32  }
0x78: {  	s1 =	rddreg [dreg:$0x1];
	p0 =	sne.s32 s2, $0x0  }
0x79: {  	s3 =	rddreg [dreg:$0x2];
	[bflag:$0x3] =	sbarrier.arrive $0xFFFF;
	s2 =	simm.s32 @!p0 $0x1C09  }
0x7a: {  	[timem:s3], [sflag:s2] =	dma.local @!p0 [hbm:s0], s1  }
0x7b: {  	s0 =	simm.s32 @!p0 $0x9  }
0x7c: {  	_ =	swait.ge @!p0 [sflag:s0], s1  }
0x7d: {  	s1 =	ssub.s32 @!p0 $0x0, s1;
	[sflag:s0] =	ssyncset.done @!p0 $0x0  }
0x7e: {  	[sflag:s0] =	ssyncadd.s32 @!p0 s1  }
0x7f: {  	[bflag:$0x3] =	sbarrier.arrive $0xFFFF  }
0x80: {  	_ =	shalt  }

// kernel: kernel.7.cloned.1.call-start
scs
__scs_entry_jumppad:
0x0: {  	(pc) =	sbr.rel $0x88, $3  }
0x1: {  	(tag) =	ssettag $0x0;
	lr =	simm.s32 $0x1  }
0x2: {  	[smem:$0x3F9A] =	sst lr;
	_ =	strace $0xD0000000  }
0x3: {  	_ = 	snop  }
0x4: {  	_ = 	snop  }
0x5: {  	_ = 	snop  }
0x6: {  	_ = 	snop  }
0x7: {  	_ = 	snop  }
__scs_overlays_trampoline_lowered:
0x8: {  	[smem:$0x3FA9] =	sst s0  }
0x9: {  	[smem:$0x3FAA] =	sst s1  }
0xa: {  	[smem:$0x3FAB] =	sst s2  }
0xb: {  	[smem:$0x3FAC] =	sst s3  }
0xc: {  	[smem:$0x3FAD] =	sst s4  }
0xd: {  	[smem:$0x3FAE] =	sst s5  }
0xe: {  	[smem:$0x3FAF] =	sst s6  }
0xf: {  	[smem:$0x3FB0] =	sst s7  }
0x10: {  	[smem:$0x3FB1] =	sst s8  }
0x11: {  	[smem:$0x3FB2] =	sst s9;
	s0 =	simm.s32 @!p0 $0x0  }
0x12: {  	s1 =	sld [smem:$0x3F98];
	s0 =	simm.s32 @p0 $0x1  }
0x13: {  	[smem:$0x3FB3] =	sst s0;
	s0 =	simm.s32 @!p1 $0x0  }
0x14: {  	s2 =	sld [smem:$0x3F97];
	s0 =	simm.s32 @p1 $0x1  }
0x15: {  	[smem:$0x3FB4] =	sst s0;
	s0 =	simm.s32 @!p2 $0x0  }
0x16: {  	s3 =	sld [smem:$0x3FDB];
	s0 =	simm.s32 @p2 $0x1  }
0x17: {  	s4 =	simm.s32 $0x1BF5;
	[smem:$0x3FB6] =	sst s0  }
0x18: {  	s0 =	sld [smem:$0x3F99];
	_ =	swait.ge [sflag:s4], $0x0  }
0x19: {  	s7 =	sld [smem:$0x3F9A]  }
0x1a: {  	s8 =	sadd.s32 $0xFFFFE003, lr  }
0x1b: {  	s9 =	sadd.s32 $0xFFFFFEF7, lr;
	s5 =	simm.s32 $0xFFFFFFFF;
	p2 =	slt.u32 s8, $0xFFFFF086  }
0x1c: {  	p1 =	slt.u32 s9, $0xF7A;
	s5 =	simm.s32 @!p2 $0x0  }
0x1d: {  	s5 =	simm.s32 @p1 $0x1;
	p0 =	seq.s32 s7, s2  }
0x1e: {  	s7 =	smul.u32 @!p0 $0xF7A, s2;
	p2 =	seq.s32 @!p0 s5, $0x0  }
0x1f: {  	s9 =	smul.u32 $0xF7A, s1;
	s8 =	simm.s32 @!p0 $0x1BF5;
	p2 =	por !p2, p0  }
0x20: {  	[sflag:s8] =	ssyncset.s32 @!p0 $0xFFFFF086;
	s6 =	sadd.s32 @!p0 s3, s7;
	s7 =	simm.s32 @!p0 $0x108  }
0x21: {  	s3 =	sadd.s32 s3, s9;
	s6 =	sadd.s32 @!p0 $0x88, s6;
	s7 =	simm.s32 @p2 $0x1082  }
0x22: {  	[simem:s7], [sflag:s8] =	dma.local @!p0 [hbm:s6], $0xF7A  }
0x23: {  	s9 =	sor.u32 $0xD0000000, s2;
	s6 =	simm.s32 $0x108;
	_ =	swait.ge @!p0 [sflag:s8], $0x0  }
0x24: {  	s3 =	sadd.s32 $0x88, s3;
	s6 =	simm.s32 @!p1 $0x1082;
	[sflag:s4] =	ssyncset.s32 $0xFFFFF086  }
0x25: {  	[simem:s6], [sflag:s4] =	dma.local [hbm:s3], $0xF7A  }
0x26: {  	[smem:$0x3F9A] =	sst s1;
	(tag) =	ssettag s2;
	_ =	strace s9  }
0x27: {  	s1 =	sld [smem:$0x3FAA]  }
0x28: {  	s2 =	sld [smem:$0x3FAB]  }
0x29: {  	s4 =	sld [smem:$0x3FAD]  }
0x2a: {  	p0 =	seq.s32 s5, $0x0;
	s5 =	sld [smem:$0x3FAE]  }
0x2b: {  	s6 =	sld [smem:$0x3FAF]  }
0x2c: {  	s7 =	sld [smem:$0x3FB0]  }
0x2d: {  	s3 =	simm.s32 $0x108;
	s8 =	sld [smem:$0x3FB1]  }
0x2e: {  	s3 =	simm.s32 @!p0 $0x1082;
	s9 =	sld [smem:$0x3FB2]  }
0x2f: {  	lr =	sadd.s32 s0, s3;
	s0 =	sld [smem:$0x3FA9]  }
0x30: {  	s3 =	sld [smem:$0x3FAC]  }
0x31: {  	[smem:$0x3FB5] =	sst s10  }
0x32: {  	s10 =	sld [smem:$0x3FB3];
	_ =	sdelay $0x3  }
0x33: {  	p0 =	seq.s32 s10, $0x1;
	s10 =	sld [smem:$0x3FB5];
	_ =	sdelay $0x3  }
0x34: {  	[smem:$0x3FB5] =	sst s10  }
0x35: {  	s10 =	sld [smem:$0x3FB4];
	_ =	sdelay $0x3  }
0x36: {  	p1 =	seq.s32 s10, $0x1;
	s10 =	sld [smem:$0x3FB5];
	_ =	sdelay $0x3  }
0x37: {  	[smem:$0x3FB5] =	sst s10  }
0x38: {  	s10 =	sld [smem:$0x3FB6]  }
0x39: {  	_ = 	snop;
	(pc) =	sbr.ind lr, $3  }
0x3a: {  	_ = 	snop  }
0x3b: {  	_ = 	snop  }
0x3c: {  	p2 =	seq.s32 s10, $0x1;
	s10 =	sld [smem:$0x3FB5]  }
0x3d: {  	_ =	shalt  }
0x3e: {  	_ =	shalt  }
0x3f: {  	_ =	shalt  }
0x40: {  	_ =	shalt  }
0x41: {  	_ =	shalt  }
0x42: {  	_ =	shalt  }
0x43: {  	_ =	shalt  }
0x44: {  	_ =	shalt  }
0x45: {  	_ =	shalt  }
0x46: {  	_ =	shalt  }
0x47: {  	_ =	shalt  }
0x48: {  	_ =	shalt  }
0x49: {  	_ =	shalt  }
0x4a: {  	_ =	shalt  }
0x4b: {  	_ =	shalt  }
0x4c: {  	_ =	shalt  }
0x4d: {  	_ =	shalt  }
0x4e: {  	_ =	shalt  }
0x4f: {  	_ =	shalt  }
0x50: {  	_ =	shalt  }
0x51: {  	_ =	shalt  }
0x52: {  	_ =	shalt  }
0x53: {  	_ =	shalt  }
0x54: {  	_ =	shalt  }
0x55: {  	_ =	shalt  }
0x56: {  	_ =	shalt  }
0x57: {  	_ =	shalt  }
0x58: {  	_ =	shalt  }
0x59: {  	_ =	shalt  }
0x5a: {  	_ =	shalt  }
0x5b: {  	_ =	shalt  }
0x5c: {  	_ =	shalt  }
0x5d: {  	_ =	shalt  }
0x5e: {  	_ =	shalt  }
0x5f: {  	_ =	shalt  }
0x60: {  	_ =	shalt  }
0x61: {  	_ =	shalt  }
0x62: {  	_ =	shalt  }
0x63: {  	_ =	shalt  }
0x64: {  	_ =	shalt  }
0x65: {  	_ =	shalt  }
0x66: {  	_ =	shalt  }
0x67: {  	_ =	shalt  }
0x68: {  	_ =	shalt  }
0x69: {  	_ =	shalt  }
0x6a: {  	_ =	shalt  }
0x6b: {  	_ =	shalt  }
0x6c: {  	_ =	shalt  }
0x6d: {  	_ =	shalt  }
0x6e: {  	_ =	shalt  }
0x6f: {  	_ =	shalt  }
0x70: {  	_ =	shalt  }
0x71: {  	_ =	shalt  }
0x72: {  	_ =	shalt  }
0x73: {  	_ =	shalt  }
0x74: {  	_ =	shalt  }
0x75: {  	_ =	shalt  }
0x76: {  	_ =	shalt  }
0x77: {  	_ =	shalt  }
0x78: {  	_ =	shalt  }
0x79: {  	_ =	shalt  }
0x7a: {  	_ =	shalt  }
0x7b: {  	_ =	shalt  }
0x7c: {  	_ =	shalt  }
0x7d: {  	_ =	shalt  }
0x7e: {  	_ =	shalt  }
0x7f: {  	_ =	shalt  }
0x80: {  	_ =	shalt  }
0x81: {  	_ =	shalt  }
0x82: {  	_ =	shalt  }
0x83: {  	_ =	shalt  }
0x84: {  	_ =	shalt  }
0x85: {  	_ =	shalt  }
0x86: {  	_ =	shalt  }
0x87: {  	_ =	shalt  }
.Lfunc_end0:
.L_simem_size_0:
called_computation_lowered:
.L_overlay_start_0:
0x88: {  	s2 =	sld [smem:$0x3FD9]  }
0x89: {  	s3 =	sld [smem:$0x3FFE];
	_ =	sdelay $0x1  }
0x8a: {  	s1 =	srdreg.scid  }
0x8b: {  	s0 =	sand.u32 $0x1, s1  }
0x8c: {  	s16 =	sshll.u32 s0, $0xA;
	s2 =	sadd.s32 s3, s2  }
0x8d: {  	s2 =	sadd.s32 s2, s16  }
0x8e: {  	[smem:$0x3FC1] =	sst s2  }
0x8f: {  	_ = 	snop  }
0x90: {  	(tm) =	ssettm $0x1  }
0x91: {  	s17 =	sld [smem:$0x3FFB];
	_ =	sdelay $0x3  }
0x92: {  	_ =	strace s17  }
0x93: {  	s2 =	sld [smem:$0x3FFC];
	_ =	sdelay $0x3  }
0x94: {  	_ =	strace s2  }
0x95: {  	s2 =	sld [smem:$0x3FFD];
	_ =	sdelay $0x3  }
0x96: {  	_ =	strace s2  }
0x97: {  	_ =	strace $0x8FFFFFFF  }
0x98: {  	s18 =	sld [smem:$0x3FDB];
	_ =	sdelay $0x1  }
0x99: {  	s19 =	simm.s32 $_scs_section_size  }
0x9a: {  	s4 =	simm.s32 $_size__tile_overlayer_lowered;
	s5 =	simm.s32 $_tile_overlayer_lowered  }
0x9b: {  	s22 =	simm.s32 $0x1BFF;
	s21 =	sshll.u32 s5, $0x1;
	s2 =	sadd.s32 s19, s18  }
0x9c: {  	s6 =	simm.s32 $0x0;
	s20 =	sshll.u32 s4, $0x1;
	s4 =	sadd.s32 s21, s2  }
0x9d: {  	[timem:s6], [sflag:s22] =	dma.local [hbm:s4], s20  }
0x9e: {  	_ =	swait.ge [sflag:s22], s20  }
0x9f: {  	s3 =	ssub.s32 $0x0, s20;
	[sflag:s22] =	ssyncset.done $0x0  }
0xa0: {  	[sflag:s22] =	ssyncadd.s32 s3;
	_ =	sdelay $0x1  }
0xa1: {  	s23 =	simm.s32 $0x1B8B  }
0xa2: {  	_ =	swait.ge [sflag:s23], $0x1  }
0xa3: {  	[sflag:s23] =	ssyncset.done $0x0  }
0xa4: {  	s25 =	simm.s32 $0x1B8E;
	s24 =	sld [smem:$0x3FFE];
	[sflag:s23] =	ssyncadd.s32 $0xFFFFFFFF  }
0xa5: {  	s26 =	simm.s32 $execute0_lowered;
	[smem:$0x3FD2] =	sst s25  }
0xa6: {  	s4 =	sshll.u32 s26, $0x1;
	_ =	strace $0x80000046;
	[dreg:$0x1] =	wrdreg $0xFFFFFFFF  }
0xa7: {  	s28 =	simm.s32 $_size_execute0_lowered;
	s2 =	sadd.s32 s2, s4;
	[dreg:$0x0] =	wrdreg $0x0  }
0xa8: {  	s4 =	sshll.u32 s28, $0x1;
	[dreg:$0x2] =	wrdreg s2  }
0xa9: {  	[dreg:$0x3] =	wrdreg s4  }
0xaa: {  	[dreg:$0x4] =	wrdreg $0xC0  }
0xab: {  	_ =	task [dreg:s6], $0x5FFFF  }
0xac: {  	[dreg:$0x1] =	wrdreg $0xFFFFFFFF  }
0xad: {  	[dreg:$0x0] =	wrdreg $0x60  }
0xae: {  	[dreg:$0x2] =	wrdreg s24  }
0xaf: {  	[dreg:$0x3] =	wrdreg $0x9  }
0xb0: {  	_ =	task.clear_ibuf [dreg:s6], $0x4FFFF;
	_ =	strace $0x90000046  }
0xb1: {  	s29 =	simm.s32 $0x9;
	_ =	strace $0x80000048  }
0xb2: {  	_ =	swait.ge [sflag:s29], $0x1  }
0xb3: {  	[sflag:s29] =	ssyncadd.s32 $0xFFFFFFFF  }
0xb4: {  	_ =	strace $0x90000048  }
0xb5: {  	_ =	sfence  }
0xb6: {  	s30 =	sld [smem:$0x0];
	_ =	sdelay $0x2  }
0xb7: {  	s31 =	sshll.u32 s1, $0xD;
	s1 =	sshrl.u32 s1, $0x2  }
0xb8: {  	s3 =	sand.u32 $0x4000, s31;
	s1 =	sadd.s32 s1, s30  }
0xb9: {  	s0 =	sor.u32 s3, s0;
	s1 =	sshll.u32 s1, $0x11  }
0xba: {  	s0 =	sor.u32 s1, s0  }
0xbb: {  	s0 =	sadd.s32 $0x8F2B, s0  }
0xbc: {  	[sflag:s0] =	ssyncadd.remote.s32 $0x1  }
0xbd: {  	_ =	sfence.sel $0xFFFF  }
0xbe: {  	[dreg:$0x0] =	wrdreg $0xFFFFFFFF;
	(pc) =	sbr.abs _section_cstart, $3  }
0xbf: {  	[dreg:$0x1] =	wrdreg $0xFFFFFFFF  }
0xc0: {  	_ =	task.clear_ibuf [dreg:s6], $0x2FFFF;
	_ =	strace $0x9FFFFFFF  }
0xc1: {  	(tm) =	ssettm $0x7FFFFFFF  }
tec
execute0_lowered:
.L_overlay_start_1:
0x0: {  	(tag) =	ssettag $0x1  }
0x1: {  	s0 =	srdreg.scid  }
0x2: {  	s5 =	stileid.u32;
	s1 =	rddreg [dreg:$0x0]  }
0x3: {  	s2 =	simm.s32 $0x0;
	s9 =	simm.s32 $0x9;
	s10 =	simm.s32 $0x1400  }
0x4: {  	s11 =	simm.s32 $0x28;
	s14 =	simm.s32 $0x3C00;
	s15 =	simm.s32 $0x1428  }
0x5: {  	s16 =	simm.s32 $0x8C00;
	s17 =	simm.s32 $0x5;
	s18 =	simm.s32 $0x6  }
0x6: {  	s19 =	simm.s32 $0x7;
	s0 =	sand.u32 $0x1, s0;
	s3 =	sshll.u32 s5, $0x1  }
0x7: {  	s20 =	simm.s32 $0x8;
	s5 =	smul.u32 $0x27100, s5;
	s3 =	sor.u32 s0, s3  }
0x8: {  	s21 =	simm.s32 $0x0;
	[smem:$0x7FF] =	sst s2;
	s4 =	smul.u32 $0x1388, s3  }
0x9: {  	_ =	strace $0x80000047;
	s6 =	ssub.s32 $0x2, s0;
	s0 =	smul.u32 $0x13880, s0  }
0xa: {  	s3 =	sadd.s32 $0x3200, s1;
	s31 =	sshrl.u32 s6, $0x1;
	s4 =	sshrl.u32 s4, $0x3  }
0xb: {  	s6 =	ssub.s32 s6, s31;
	s7 =	sadd.s32 s4, s1;
	s1 =	sadd.s32 s5, s1  }
0xc: {  	s6 =	smax.u32 s6, $0x1;
	s4 =	sadd.s32 $0x2A400, s7;
	s0 =	sadd.s32 s0, s1  }
0xd: {  	s5 =	sadd.s32 $0x34200, s7;
	s7 =	sadd.s32 $0x3E000, s0;
	s8 =	sadd.s32 $0x2AF000, s0  }
.LBB2_1:
0xe: {  	[tilespmem:s2], [sflag:$0x9] =	stream.linear.gather [hbm4b:s4+s2], $0x1388, $0x38;
	[tilespmem:$0xC800] =	vst v63  }
0xf: {  	_ =	swait.ge [sflag:s9], $0x1388  }
0x10: {  	[sflag:s9] =	ssyncset.done $0x0  }
0x11: {  	[sflag:s9] =	ssyncadd.s32 $0xFFFFEC78  }
0x12: {  	[tilespmem:s10], [sflag:$0x9] =	stream.linear.gather [hbm4b:s5+s2], $0x1388, $0x38;
	[tilespmem:$0xC800] =	vst v63  }
0x13: {  	_ =	swait.ge [sflag:s9], $0x1388  }
0x14: {  	[sflag:s9] =	ssyncset.done $0x0  }
0x15: {  	s0 =	simm.s32 $0x2800;
	p0 =	por $0x0, $0x0;
	[sflag:s9] =	ssyncadd.s32 $0xFFFFEC78  }
0x16: {  	[tilespmem:s0], [sflag:$0x1] =	stream.indirect.gather [hbm4b:s3+s11], $0x80, s2, s11, $0xb8;
	[tilespmem:$0xC800] =	vst v63  }
0x17: {  	s25 =	simm.s32 $0x7800;
	p1 =	por @!p0 $0x1, $0x1;
	s0 =	simm.s32 $0x2  }
0x18: {  	[tilespmem:s25], [sflag:$0x1] =	stream.indirect.gather [hbm4b:s3+s11], $0x80, s10, s11, $0xb8;
	[tilespmem:$0xC800] =	vst v63  }
0x19: {  	p1 =	por p1, p0;
	s0 =	sand.u32 @!p0 $0x3, s0  }
0x1a: {  	[tilespmem:s14], [sflag:$0x2] =	stream.indirect.gather [hbm4b:s3+s11], $0x80, s11, s11, $0xb8;
	[tilespmem:$0xC800] =	vst v63  }
0x1b: {  	s1 =	sadd.s32 @!p1 $0x5, s0  }
0x1c: {  	[tilespmem:s16], [sflag:$0x2] =	stream.indirect.gather [hbm4b:s3+s11], $0x80, s15, s11, $0xb8;
	[tilespmem:$0xC800] =	vst v63  }
0x1d: {  	_ =	swait.ge @!p1 [sflag:s1], $0x1400  }
0x1e: {  	[sflag:s1] =	ssyncset.done @!p1 $0x0  }
0x1f: {  	s12 =	simm.s32 $0x1450;
	s22 =	simm.s32 $0x50;
	[sflag:s1] =	ssyncadd.s32 @!p1 $0xFFFFEC00  }
0x20: {  	s26 =	sand.u32 $0x3, s2;
	s13 =	smul.u32 @!p0 $0x1400, s0;
	_ =	swait.ge @!p1 [sflag:s1], $0x1400  }
0x21: {  	s28 =	simm.s32 $0x2;
	s23 =	simm.s32 @!p0 $0x28;
	[sflag:s1] =	ssyncset.done @!p1 $0x0  }
0x22: {  	s0 =	sadd.s32 @!p0 $0x1, s0;
	[sflag:s1] =	ssyncadd.s32 @!p1 $0xFFFFEC00;
	s1 =	sadd.s32 @!p0 $0x2800, s13  }
0x23: {  	[tilespmem:s1], [sflag:s0] =	stream.indirect.gather @!p0 [hbm4b:s3+s23], $0x80, s22, s23, $0xb8;
	[tilespmem:$0xC800] =	vst v63  }
0x24: {  	s24 =	sadd.s32 $0x280, s7;
	s30 =	smov.u32 s7;
	s1 =	sadd.s32 @!p0 $0x7800, s13  }
0x25: {  	[tilespmem:s1], [sflag:s0] =	stream.indirect.gather @!p0 [hbm4b:s3+s23], $0x80, s12, s23, $0xb8;
	[tilespmem:$0xC800] =	vst v63  }
0x26: {  	s29 =	smov.u32 s8;
	s31 =	sadd.s32 $0x5, s26;
	s12 =	sadd.s32 $0x1, s26  }
0x27: {  	s25 =	simm.s32 $0x78;
	s22 =	simm.s32 $0x1;
	_ =	swait.ge [sflag:s12], $0x1400  }
0x28: {  	s1 =	smul.u32 $0x1400, s26;
	s26 =	simm.s32 $0x1478;
	[sflag:s12] =	ssyncset.done $0x0  }
0x29: {  	s0 =	simm.s32 $0x3;
	p0 =	por $0x0, $0x0;
	[sflag:s12] =	ssyncadd.s32 $0xFFFFEC00  }
0x2a: {  	s23 =	sadd.s32 $0x280, s8;
	s0 =	sand.u32 @!p0 $0x3, s0;
	_ =	swait.ge [sflag:s12], $0x1400  }
0x2b: {  	p2 =	por @!p0 $0x1, $0x1;
	s13 =	sadd.s32 $0x2800, s1;
	[sflag:s12] =	ssyncset.done $0x0  }
.LBB2_2:
0x2c: {  	p2 =	por p2, p0  }
0x2d: {  	[sflag:s12] =	ssyncadd.s32 $0xFFFFEC00;
	s12 =	smov.u32 s28;
	s28 =	sadd.s32 $0x1, s28  }
0x2e: {  	[hbm4b:s30+s2] =	stream.linear.scatter [tilespmem:s13], [sflag:s31], $0x1400, $0x38;
	[tilespmem:$0xC800] =	vst v63  }
0x2f: {  	s1 =	sadd.s32 $0x7800, s1;
	p1 =	sne.s32 s28, $0x7D;
	s13 =	sadd.s32 @!p2 $0x5, s0  }
0x30: {  	[hbm4b:s29+s2] =	stream.linear.scatter [tilespmem:s1], [sflag:s31], $0x1400, $0x38;
	[tilespmem:$0xC800] =	vst v63  }
0x31: {  	s30 =	smov.u32 s24;
	s29 =	smov.u32 s23;
	_ =	swait.ge @!p2 [sflag:s13], $0x1400  }
0x32: {  	[sflag:s13] =	ssyncset.done @!p2 $0x0  }
0x33: {  	[sflag:s13] =	ssyncadd.s32 @!p2 $0xFFFFEC00  }
0x34: {  	s1 =	smul.u32 @!p0 $0x1400, s0;
	_ =	swait.ge @!p2 [sflag:s13], $0x1400  }
0x35: {  	s0 =	sadd.s32 @!p0 $0x1, s0;
	s31 =	simm.s32 @!p0 $0x28;
	[sflag:s13] =	ssyncset.done @!p2 $0x0  }
0x36: {  	[sflag:s13] =	ssyncadd.s32 @!p2 $0xFFFFEC00;
	s13 =	sadd.s32 @!p0 $0x2800, s1;
	s1 =	sadd.s32 @!p0 $0x7800, s1  }
0x37: {  	[tilespmem:s13], [sflag:s0] =	stream.indirect.gather @!p0 [hbm4b:s3+s31], $0x80, s25, s31, $0xb8;
	[tilespmem:$0xC800] =	vst v63  }
0x38: {  	s13 =	sand.u32 $0x3, s22;
	s22 =	smov.u32 s12  }
0x39: {  	[tilespmem:s1], [sflag:s0] =	stream.indirect.gather @!p0 [hbm4b:s3+s31], $0x80, s26, s31, $0xb8;
	[tilespmem:$0xC800] =	vst v63  }
0x3a: {  	s12 =	sadd.s32 $0x1, s13;
	s1 =	smul.u32 $0x1400, s13;
	s31 =	sadd.s32 $0x5, s13  }
.Ltmp0:
0x3b: {  	s25 =	sadd.s32 $0x28, s25;
	_ =	swait.ge [sflag:s12], $0x1400;
	(pc) =	sbr.rel @p1 .LBB2_2-.Ltmp0, $4  }
0x3c: {  	s26 =	sadd.s32 $0x28, s26;
	s13 =	sadd.s32 $0x2800, s1;
	[sflag:s12] =	ssyncset.done $0x0  }
0x3d: {  	s24 =	sadd.s32 $0x280, s24;
	s23 =	sadd.s32 $0x280, s23;
	[sflag:s12] =	ssyncadd.s32 $0xFFFFEC00  }
0x3e: {  	s0 =	sadd.s32 $0x2, s22;
	p0 =	sgt.u32 s22, $0x7A;
	_ =	swait.ge [sflag:s12], $0x1400  }
0x3f: {  	s0 =	sand.u32 @!p0 $0x3, s0;
	p2 =	slt.u32 @!p0 s22, $0x2;
	[sflag:s12] =	ssyncset.done $0x0  }
0x40: {  	p1 =	por p2, p0;
	[sflag:s12] =	ssyncadd.s32 $0xFFFFEC00  }
0x41: {  	[hbm4b:s30+s2] =	stream.linear.scatter [tilespmem:s13], [sflag:s31], $0x1400, $0x38;
	[tilespmem:$0xC800] =	vst v63  }
0x42: {  	s1 =	sadd.s32 $0x7800, s1;
	s12 =	sadd.s32 @!p1 $0x5, s0  }
0x43: {  	[hbm4b:s29+s2] =	stream.linear.scatter [tilespmem:s1], [sflag:s31], $0x1400, $0x38;
	[tilespmem:$0xC800] =	vst v63  }
0x44: {  	_ =	swait.ge @!p1 [sflag:s12], $0x1400  }
0x45: {  	[sflag:s12] =	ssyncset.done @!p1 $0x0  }
0x46: {  	[sflag:s12] =	ssyncadd.s32 @!p1 $0xFFFFEC00  }
0x47: {  	s1 =	smul.u32 @!p0 $0x1400, s0;
	_ =	swait.ge @!p1 [sflag:s12], $0x1400  }
0x48: {  	s13 =	simm.s32 @!p0 $0x28;
	[sflag:s12] =	ssyncset.done @!p1 $0x0  }
0x49: {  	s0 =	sadd.s32 @!p0 $0x1, s0;
	[sflag:s12] =	ssyncadd.s32 @!p1 $0xFFFFEC00;
	s12 =	sadd.s32 @!p0 $0x2800, s1  }
0x4a: {  	[tilespmem:s12], [sflag:s0] =	stream.indirect.gather @!p0 [hbm4b:s3+s13], $0x80, s25, s13, $0xb8;
	[tilespmem:$0xC800] =	vst v63  }
0x4b: {  	s25 =	sand.u32 $0x3, s22  }
0x4c: {  	s1 =	sadd.s32 @!p0 $0x7800, s1;
	s28 =	sadd.s32 $0x1, s25  }
0x4d: {  	[tilespmem:s1], [sflag:s0] =	stream.indirect.gather @!p0 [hbm4b:s3+s13], $0x80, s26, s13, $0xb8;
	[tilespmem:$0xC800] =	vst v63  }
0x4e: {  	_ =	swait.ge [sflag:s28], $0x1400  }
0x4f: {  	[sflag:s28] =	ssyncset.done $0x0  }
0x50: {  	[sflag:s28] =	ssyncadd.s32 $0xFFFFEC00  }
0x51: {  	s29 =	smul.u32 $0x1400, s25;
	_ =	swait.ge [sflag:s28], $0x1400  }
0x52: {  	[sflag:s28] =	ssyncset.done $0x0  }
0x53: {  	s12 =	sadd.s32 $0x5, s25;
	s30 =	sadd.s32 $0x2800, s29;
	[sflag:s28] =	ssyncadd.s32 $0xFFFFEC00  }
0x54: {  	[hbm4b:s24+s2] =	stream.linear.scatter [tilespmem:s30], [sflag:s12], $0x1400, $0x38;
	[tilespmem:$0xC800] =	vst v63  }
0x55: {  	s31 =	sadd.s32 $0x7800, s29  }
0x56: {  	[hbm4b:s23+s2] =	stream.linear.scatter [tilespmem:s31], [sflag:s12], $0x1400, $0x38;
	[tilespmem:$0xC800] =	vst v63  }
0x57: {  	_ =	swait.ge [sflag:s17], $0x1400  }
0x58: {  	[sflag:s17] =	ssyncset.done $0x0  }
0x59: {  	[sflag:s17] =	ssyncadd.s32 $0xFFFFEC00  }
0x5a: {  	_ =	swait.ge [sflag:s17], $0x1400  }
0x5b: {  	[sflag:s17] =	ssyncset.done $0x0  }
0x5c: {  	[sflag:s17] =	ssyncadd.s32 $0xFFFFEC00  }
0x5d: {  	_ =	swait.ge [sflag:s18], $0x1400  }
0x5e: {  	[sflag:s18] =	ssyncset.done $0x0  }
0x5f: {  	[sflag:s18] =	ssyncadd.s32 $0xFFFFEC00  }
0x60: {  	_ =	swait.ge [sflag:s18], $0x1400  }
0x61: {  	[sflag:s18] =	ssyncset.done $0x0  }
0x62: {  	[sflag:s18] =	ssyncadd.s32 $0xFFFFEC00  }
0x63: {  	_ =	swait.ge [sflag:s19], $0x1400  }
0x64: {  	[sflag:s19] =	ssyncset.done $0x0  }
0x65: {  	[sflag:s19] =	ssyncadd.s32 $0xFFFFEC00  }
0x66: {  	_ =	swait.ge [sflag:s19], $0x1400  }
0x67: {  	[sflag:s19] =	ssyncset.done $0x0  }
0x68: {  	s21 =	sadd.s32 $0x1, s21;
	[sflag:s19] =	ssyncadd.s32 $0xFFFFEC00  }
0x69: {  	p0 =	sne.s32 s21, s6;
	_ =	swait.ge [sflag:s20], $0x1400  }
.Ltmp1:
0x6a: {  	[sflag:s20] =	ssyncset.done $0x0;
	(pc) =	sbr.rel @p0 .LBB2_1-.Ltmp1, $4  }
0x6b: {  	[sflag:s20] =	ssyncadd.s32 $0xFFFFEC00  }
0x6c: {  	_ =	swait.ge [sflag:s20], $0x1400  }
0x6d: {  	[sflag:s20] =	ssyncset.done $0x0  }
0x6e: {  	[sflag:s20] =	ssyncadd.s32 $0xFFFFEC00  }
0x6f: {  	_ =	sfence.sel $0x180000  }
0x70: {  	[bflag:$0x0] =	sbarrier.arrive $0xFFFF  }
0x71: {  	_ =	strace $0x90000047  }
0x72: {  	s0 =	stileid.u32;
	[bflag:$0x2] =	sbarrier.arrive $0xFFFF  }
0x73: {  	p0 =	sne.s32 s0, $0x0;
	s0 =	rddreg [dreg:$0x1]  }
0x74: {  	s0 =	sadd.s32 @!p0 $0x100000, s0  }
0x75: {  	[sflag:s0] =	ssyncadd.tile.s32 @!p0 $0x1;
	_ =	shalt  }
.Lfunc_end2:
_tile_overlayer_lowered:
.L_overlay_start_2:
0x76: {  	(tag) =	ssettag $0x2  }
0x77: {  	s0 =	rddreg [dreg:$0x0];
	s2 =	stileid.u32  }
0x78: {  	s1 =	rddreg [dreg:$0x1];
	p0 =	sne.s32 s2, $0x0  }
0x79: {  	s3 =	rddreg [dreg:$0x2];
	[bflag:$0x3] =	sbarrier.arrive $0xFFFF;
	s2 =	simm.s32 @!p0 $0x1C09  }
0x7a: {  	[timem:s3], [sflag:s2] =	dma.local @!p0 [hbm:s0], s1  }
0x7b: {  	s0 =	simm.s32 @!p0 $0x9  }
0x7c: {  	_ =	swait.ge @!p0 [sflag:s0], s1  }
0x7d: {  	s1 =	ssub.s32 @!p0 $0x0, s1;
	[sflag:s0] =	ssyncset.done @!p0 $0x0  }
0x7e: {  	[sflag:s0] =	ssyncadd.s32 @!p0 s1  }
0x7f: {  	[bflag:$0x3] =	sbarrier.arrive $0xFFFF  }
0x80: {  	_ =	shalt  }

</sc_bundles>
